<compile_context>
chip_gen: v7x
topology: tpu7x:2x2x1
jax: 0.10.2.dev20260603
libtpu: 0.0.44.dev20260713+nightly
codegen_flags: <defaults>
</compile_context>

<pallas_src>
import functools

import jax
import jax.numpy as jnp
from jax import lax
from jax.experimental import pallas as pl
from jax.experimental.pallas import tpu as pltpu
from jax.experimental.pallas import tpu_sc as plsc

_T = 200
_V = 1000
_VP = 1008
_D = 128
_SAMPLING_RATIO = 0.2
_ROWS = 8

_NC = 2
_NS = 16
_NW = _NC * _NS
_N_IDS = 64 * _T
_PER_W = _N_IDS // _NW
_CHUNKS = ((0, 104), (104, 104), (208, 104), (312, 88))


@functools.lru_cache(maxsize=1)
def _sc_gather_fn():
    @functools.partial(
        pl.kernel,
        mesh=plsc.VectorSubcoreMesh(core_axis_name="c", subcore_axis_name="s"),
        out_type=jax.ShapeDtypeStruct((_N_IDS, _D), jnp.float32),
        scratch_types=[
            pltpu.VMEM((_PER_W,), jnp.int32),
            pltpu.VMEM((_PER_W, _D), jnp.float32),
            pltpu.VMEM_SHARED((_VP, _D), jnp.float32),
            pltpu.SemaphoreType.DMA,
        ],
    )
    def _sc_gather(w_hbm, idx_hbm, out_hbm, idx_v, rows_v, w_sh, sem):
        sid = lax.axis_index("s")
        wid = sid * _NC + lax.axis_index("c")
        base = wid * _PER_W
        @pl.when(sid == 0)
        def _stage():
            pltpu.sync_copy(w_hbm, w_sh)

        pltpu.sync_copy(idx_hbm.at[pl.ds(base, _PER_W)], idx_v)
        plsc.subcore_barrier()
        copies = [
            pltpu.async_copy(w_sh.at[idx_v.at[pl.ds(off, sz)]],
                             rows_v.at[pl.ds(off, sz)], sem)
            for off, sz in _CHUNKS
        ]
        for c in copies:
            c.wait()
        pltpu.sync_copy(rows_v, out_hbm.at[pl.ds(base, _PER_W)])

    return _sc_gather


def _tc_body(lens_ref, ig_ref, dec_ref, ys_ref, emb_ref, pa_ref, rc_ref, rr_ref,
             out1_ref, out3_ref, tg_ref, tn_ref, ts_ref, tr_ref):
    g = pl.program_id(0)
    ig = ig_ref[0]
    viota = lax.broadcasted_iota(jnp.int32, (_T, _V), 1).astype(jnp.float32)
    t2 = lax.broadcasted_iota(jnp.int32, (_T, 1), 0)

    @pl.when(g == 0)
    def _init():
        tn_ref[0, 0] = 0
        ts_ref[0, 0] = 0
        tr_ref[0, 0] = 0

    for rr in range(_ROWS):
        L = lens_ref[g * _ROWS + rr]
        d = dec_ref[rr]
        ys = ys_ref[rr]
        emb = emb_ref[rr]
        pa = pa_ref[rr]
        rcol = rc_ref[rr]
        rrow = rr_ref[rr]

        mx = jnp.max(d, axis=1, keepdims=True)
        predf = jnp.min(jnp.where(d == mx, viota, 2048.0), axis=1,
                        keepdims=True)
        pred = predf.astype(jnp.int32)

        not_ignore = ys != ig
        same = (ys == pred) & not_ignore
        same_num = jnp.sum(same.astype(jnp.int32))
        eff = jnp.maximum(
            ((L.astype(jnp.float32) - same_num.astype(jnp.float32))
             * _SAMPLING_RATIO).astype(jnp.int32), 0)

        tgt = t2 < L
        tgtf = tgt.astype(jnp.float32)

        gtf = (rrow > rcol).astype(jnp.float32)
        rank = lax.dot_general(gtf, tgtf, (((1,), (0,)), ((), ())),
                               preferred_element_type=jnp.float32)
        imask = (rank < eff.astype(jnp.float32)) & tgt & not_ignore

        out1_ref[rr] = jnp.where(imask, emb, pa * tgtf)
        out3_ref[rr] = pa * tgtf
        tg_ref[rr] = tgt.astype(jnp.int32)

        num = jnp.sum(not_ignore.astype(jnp.int32))
        tn_ref[0, 0] += num
        ts_ref[0, 0] += same_num
        tr_ref[0, 0] += eff


def kernel(decoder_out, ys_pad, ys_pad_lens, pred_acoustic_embeds, ignore_id, W):
    B, T = ys_pad.shape
    r = jax.random.uniform(jax.random.key(123), (B, T))
    rcol = r.reshape(B, T, 1)
    rrow = r.reshape(B, 1, T)
    ys_i32 = ys_pad.astype(jnp.int32)
    ys3 = ys_i32.reshape(B, T, 1)
    lens = ys_pad_lens.astype(jnp.int32)
    ig = jnp.asarray(ignore_id, jnp.int32).reshape(1)

    tgt = jnp.arange(T, dtype=jnp.int32)[None, :] < lens[:, None]
    idx = jnp.where(tgt, ys_i32, _V).reshape(-1)
    w_pad = jnp.concatenate([W, jnp.zeros((_VP - _V, _D), jnp.float32)], axis=0)
    out2_flat = _sc_gather_fn()(w_pad, idx)
    out2 = out2_flat.reshape(B, T, _D)

    out_shapes = (
        jax.ShapeDtypeStruct((B, T, _D), jnp.float32),
        jax.ShapeDtypeStruct((B, T, _D), jnp.float32),
        jax.ShapeDtypeStruct((B, T, 1), jnp.int32),
        jax.ShapeDtypeStruct((1, 1), jnp.int32),
        jax.ShapeDtypeStruct((1, 1), jnp.int32),
        jax.ShapeDtypeStruct((1, 1), jnp.int32),
    )
    grid = (B // _ROWS,)
    smem = pltpu.SMEM
    in_specs = [
        pl.BlockSpec(memory_space=smem),
        pl.BlockSpec(memory_space=smem),
        pl.BlockSpec((_ROWS, T, _V), lambda g: (g, 0, 0)),
        pl.BlockSpec((_ROWS, T, 1), lambda g: (g, 0, 0)),
        pl.BlockSpec((_ROWS, T, _D), lambda g: (g, 0, 0)),
        pl.BlockSpec((_ROWS, T, _D), lambda g: (g, 0, 0)),
        pl.BlockSpec((_ROWS, T, 1), lambda g: (g, 0, 0)),
        pl.BlockSpec((_ROWS, 1, T), lambda g: (g, 0, 0)),
    ]
    out_specs = [
        pl.BlockSpec((_ROWS, T, _D), lambda g: (g, 0, 0)),
        pl.BlockSpec((_ROWS, T, _D), lambda g: (g, 0, 0)),
        pl.BlockSpec((_ROWS, T, 1), lambda g: (g, 0, 0)),
        pl.BlockSpec((1, 1), lambda g: (0, 0), memory_space=smem),
        pl.BlockSpec((1, 1), lambda g: (0, 0), memory_space=smem),
        pl.BlockSpec((1, 1), lambda g: (0, 0), memory_space=smem),
    ]
    o1, o3, tg, tn, ts, tr = pl.pallas_call(
        _tc_body,
        grid=grid,
        in_specs=in_specs,
        out_specs=out_specs,
        out_shape=out_shapes,
    )(lens, ig, decoder_out, ys3, out2, pred_acoustic_embeds, rcol, rrow)

    tgt3 = tg.astype(jnp.bool_)
    return (o1, out2, o3, tgt3,
            tn.reshape(()), ts.reshape(()), tr.reshape(()))

# --- scband reference (transcript-rebuilt; emitter-appended) ---
"""Pipeline reference for scband-sampler-16312285790670 (READ-ONLY COPY).

The authoritative reference and input builder live on the scoring server;
editing this copy changes nothing except your own understanding.
"""

import jax, jax.numpy as jnp
import numpy as np

SAMPLING_RATIO = 0.2

def make_pad_mask(lengths, max_len):
    return jnp.arange(max_len)[None, :] >= lengths[:, None]

def setup_inputs(seed: int = 0):
    key = jax.random.key(seed)
    k1, k2, k3, k4, k5 = jax.random.split(key, 5)
    decoder_out = jax.random.normal(k1, (64, 200, 1000), dtype=jnp.float32)
    ys_pad = jax.random.randint(k2, (64, 200), 0, 1000)
    ys_pad_lens = jax.random.randint(k3, (64,), 0, 200)
    pred_acoustic_embeds = jax.random.normal(k4, (64, 200, 128), dtype=jnp.float32)
    W = jax.random.normal(k5, (1000, 128), dtype=jnp.float32) * 0.02
    return {"decoder_out": decoder_out, "ys_pad": ys_pad, "ys_pad_lens": ys_pad_lens, "pred_acoustic_embeds": pred_acoustic_embeds, "ignore_id": -1, "W": W}

def reference(decoder_out, ys_pad, ys_pad_lens, pred_acoustic_embeds, ignore_id, W):
    B, T = ys_pad.shape
    tgt_mask = ~make_pad_mask(ys_pad_lens, T)
    ys_pad_mask = ys_pad * tgt_mask
    ys_pad_embed = jnp.take(W, ys_pad_mask, axis=0)
    pred_tokens = jnp.argmax(decoder_out, axis=-1)
    ignore = ys_pad == ignore_id
    same = jnp.where(ignore, False, ys_pad == pred_tokens)
    same_num = jnp.sum(same.astype(jnp.int32), axis=1)
    target_num = ((ys_pad_lens.astype(jnp.float32) - same_num.astype(jnp.float32)) * SAMPLING_RATIO).astype(jnp.int32)
    eff = jnp.maximum(target_num, 0)
    rkey = jax.random.key(123)
    r = jax.random.uniform(rkey, (B, T))
    valid = jnp.arange(T)[None, :] < ys_pad_lens[:, None]
    r = jnp.where(valid, r, -jnp.inf)
    order = jnp.argsort(-r, axis=1)
    ranks = jnp.argsort(order, axis=1)
    input_mask = (ranks < eff[:, None]) & valid
    total_replace = jnp.sum(eff)
    total_same = jnp.sum(same_num)
    total_num = jnp.sum((~ignore).astype(jnp.int32))
    input_mask = input_mask & (~ignore)
    im3 = input_mask[:, :, None]
    tgt3 = tgt_mask[:, :, None]
    semantic_embeds = jnp.where(im3, ys_pad_embed, pred_acoustic_embeds)
    return (semantic_embeds * tgt3, ys_pad_embed * tgt3, pred_acoustic_embeds * tgt3, tgt3, total_num, total_same, total_replace)

if __name__ == "__main__":
    import jax
    _d = setup_inputs()
    print(jax.jit(kernel)(*tuple(_d.values())))

</pallas_src>

<mosaic_0001>
#map = affine_map<(d0, d1) -> (0, 0)>
#map1 = affine_map<(d0, d1) -> (0)>
module attributes {stable_mosaic.version = 14 : i64} {
  func.func @_sc_gather(%arg0: i32, %arg1: i32, %arg2: memref<1008x128xf32, #tpu.memory_space<hbm>>, %arg3: memref<12800xi32, #tpu.memory_space<hbm>>, %arg4: memref<12800x128xf32, #tpu.memory_space<hbm>>, %arg5: memref<400xi32, #tpu.memory_space<vmem>>, %arg6: memref<400x128xf32, #tpu.memory_space<vmem>>, %arg7: memref<1008x128xf32, #tpu.memory_space<vmem_shared>>, %arg8: memref<!tpu.dma_semaphore, #tpu.memory_space<semaphore_mem>>) attributes {dimension_semantics = [#tpu.dimension_semantics<core_parallel>, #tpu.dimension_semantics<subcore_parallel>], iteration_bounds = array<i64: 2, 16>, scalar_prefetch = 0 : i64, scratch_operands = 4 : i64, tpu.core_type = #tpu.core_type<sc_vector_subcore>, window_params = [{transform_indices = #map}, {transform_indices = #map1}, {transform_indices = #map}]} {
    %mul3A = arith.constant 2 : i32
    %mul3A_0 = arith.muli %arg1, %mul3A : i32
    %add3A = arith.addi %mul3A_0, %arg0 : i32
    %mul3A_1 = arith.constant 400 : i32
    %mul3A_2 = arith.muli %add3A, %mul3A_1 : i32
    %eq3A = arith.constant 0 : i32
    %eq3A_3 = arith.cmpi eq, %arg1, %eq3A : i32
    %convert_element_type3A = arith.extui %eq3A_3 : i1 to i32
    %cond3A = arith.constant 0 : i32
    %cond3A_4 = arith.cmpi ne, %convert_element_type3A, %cond3A : i32
    scf.if %cond3A_4 {
      "tpu.region"() ({
        %run_scoped3A = tpu.sem_alloc : memref<!tpu.dma_semaphore, #tpu.memory_space<semaphore_mem>>
        tpu.enqueue_dma source(%arg2 : memref<1008x128xf32, #tpu.memory_space<hbm>>) target(%arg7 : memref<1008x128xf32, #tpu.memory_space<vmem_shared>>) target_semaphore(%run_scoped3A : memref<!tpu.dma_semaphore, #tpu.memory_space<semaphore_mem>>)
        tpu.wait_dma2 semaphore(%run_scoped3A : memref<!tpu.dma_semaphore, #tpu.memory_space<semaphore_mem>>) src(%arg2 : memref<1008x128xf32, #tpu.memory_space<hbm>>) dst(%arg7 : memref<1008x128xf32, #tpu.memory_space<vmem_shared>>)
        tpu.yield
      }) : () -> ()
    } else {
    }
    "tpu.region"() ({
      %run_scoped3A = tpu.sem_alloc : memref<!tpu.dma_semaphore, #tpu.memory_space<semaphore_mem>>
      %dma_start3A_67 = tpu.memref_slice %arg3[%mul3A_2] : memref<12800xi32, #tpu.memory_space<hbm>> -> memref<400xi32, #tpu.memory_space<hbm>>
      %dma_start3A_68 = tpu.memref_slice %arg3[%mul3A_2] : memref<12800xi32, #tpu.memory_space<hbm>> -> memref<400xi32, #tpu.memory_space<hbm>>
      tpu.enqueue_dma source(%dma_start3A_68 : memref<400xi32, #tpu.memory_space<hbm>>) target(%arg5 : memref<400xi32, #tpu.memory_space<vmem>>) target_semaphore(%run_scoped3A : memref<!tpu.dma_semaphore, #tpu.memory_space<semaphore_mem>>)
      %dma_wait3A_69 = tpu.memref_slice %arg3[%mul3A_2] : memref<12800xi32, #tpu.memory_space<hbm>> -> memref<400xi32, #tpu.memory_space<hbm>>
      %dma_wait3A_70 = tpu.memref_slice %arg3[%mul3A_2] : memref<12800xi32, #tpu.memory_space<hbm>> -> memref<400xi32, #tpu.memory_space<hbm>>
      tpu.wait_dma2 semaphore(%run_scoped3A : memref<!tpu.dma_semaphore, #tpu.memory_space<semaphore_mem>>) src(%dma_wait3A_70 : memref<400xi32, #tpu.memory_space<hbm>>) dst(%arg5 : memref<400xi32, #tpu.memory_space<vmem>>)
      tpu.yield
    }) : () -> ()
    %barrier3A = arith.constant 0 : index
    tpu.barrier barrier_id(%barrier3A)
    %dma_start3A = arith.constant 0 : i32
    %dma_start3A_5 = arith.constant 0 : i32
    %dma_start3A_6 = tpu.memref_slice %arg6[%dma_start3A, %dma_start3A_5] : memref<400x128xf32, #tpu.memory_space<vmem>> -> memref<104x128xf32, #tpu.memory_space<vmem>>
    %dma_start3A_7 = arith.constant 0 : i32
    %dma_start3A_8 = tpu.memref_slice %arg5[%dma_start3A_7] : memref<400xi32, #tpu.memory_space<vmem>> -> memref<104xi32, #tpu.memory_space<vmem>>
    %dma_start3A_9 = arith.constant 0 : i32
    %dma_start3A_10 = arith.constant 0 : i32
    %dma_start3A_11 = tpu.memref_slice %arg7[%dma_start3A_9, %dma_start3A_10] : memref<1008x128xf32, #tpu.memory_space<vmem_shared>> -> memref<1008x128xf32, #tpu.memory_space<vmem_shared>>
    tpu.enqueue_indirect_dma source(%dma_start3A_11 : memref<1008x128xf32, #tpu.memory_space<vmem_shared>>) target(%dma_start3A_6 : memref<104x128xf32, #tpu.memory_space<vmem>>) offsets(%dma_start3A_8 : memref<104xi32, #tpu.memory_space<vmem>>) semaphore(%arg8 : memref<!tpu.dma_semaphore, #tpu.memory_space<semaphore_mem>>)
    %dma_start3A_12 = arith.constant 104 : i32
    %dma_start3A_13 = arith.constant 0 : i32
    %dma_start3A_14 = tpu.memref_slice %arg6[%dma_start3A_12, %dma_start3A_13] : memref<400x128xf32, #tpu.memory_space<vmem>> -> memref<104x128xf32, #tpu.memory_space<vmem>>
    %dma_start3A_15 = arith.constant 104 : i32
    %dma_start3A_16 = tpu.memref_slice %arg5[%dma_start3A_15] : memref<400xi32, #tpu.memory_space<vmem>> -> memref<104xi32, #tpu.memory_space<vmem>>
    %dma_start3A_17 = arith.constant 0 : i32
    %dma_start3A_18 = arith.constant 0 : i32
    %dma_start3A_19 = tpu.memref_slice %arg7[%dma_start3A_17, %dma_start3A_18] : memref<1008x128xf32, #tpu.memory_space<vmem_shared>> -> memref<1008x128xf32, #tpu.memory_space<vmem_shared>>
    tpu.enqueue_indirect_dma source(%dma_start3A_19 : memref<1008x128xf32, #tpu.memory_space<vmem_shared>>) target(%dma_start3A_14 : memref<104x128xf32, #tpu.memory_space<vmem>>) offsets(%dma_start3A_16 : memref<104xi32, #tpu.memory_space<vmem>>) semaphore(%arg8 : memref<!tpu.dma_semaphore, #tpu.memory_space<semaphore_mem>>)
    %dma_start3A_20 = arith.constant 208 : i32
    %dma_start3A_21 = arith.constant 0 : i32
    %dma_start3A_22 = tpu.memref_slice %arg6[%dma_start3A_20, %dma_start3A_21] : memref<400x128xf32, #tpu.memory_space<vmem>> -> memref<104x128xf32, #tpu.memory_space<vmem>>
    %dma_start3A_23 = arith.constant 208 : i32
    %dma_start3A_24 = tpu.memref_slice %arg5[%dma_start3A_23] : memref<400xi32, #tpu.memory_space<vmem>> -> memref<104xi32, #tpu.memory_space<vmem>>
    %dma_start3A_25 = arith.constant 0 : i32
    %dma_start3A_26 = arith.constant 0 : i32
    %dma_start3A_27 = tpu.memref_slice %arg7[%dma_start3A_25, %dma_start3A_26] : memref<1008x128xf32, #tpu.memory_space<vmem_shared>> -> memref<1008x128xf32, #tpu.memory_space<vmem_shared>>
    tpu.enqueue_indirect_dma source(%dma_start3A_27 : memref<1008x128xf32, #tpu.memory_space<vmem_shared>>) target(%dma_start3A_22 : memref<104x128xf32, #tpu.memory_space<vmem>>) offsets(%dma_start3A_24 : memref<104xi32, #tpu.memory_space<vmem>>) semaphore(%arg8 : memref<!tpu.dma_semaphore, #tpu.memory_space<semaphore_mem>>)
    %dma_start3A_28 = arith.constant 312 : i32
    %dma_start3A_29 = arith.constant 0 : i32
    %dma_start3A_30 = tpu.memref_slice %arg6[%dma_start3A_28, %dma_start3A_29] : memref<400x128xf32, #tpu.memory_space<vmem>> -> memref<88x128xf32, #tpu.memory_space<vmem>>
    %dma_start3A_31 = arith.constant 312 : i32
    %dma_start3A_32 = tpu.memref_slice %arg5[%dma_start3A_31] : memref<400xi32, #tpu.memory_space<vmem>> -> memref<88xi32, #tpu.memory_space<vmem>>
    %dma_start3A_33 = arith.constant 0 : i32
    %dma_start3A_34 = arith.constant 0 : i32
    %dma_start3A_35 = tpu.memref_slice %arg7[%dma_start3A_33, %dma_start3A_34] : memref<1008x128xf32, #tpu.memory_space<vmem_shared>> -> memref<1008x128xf32, #tpu.memory_space<vmem_shared>>
    tpu.enqueue_indirect_dma source(%dma_start3A_35 : memref<1008x128xf32, #tpu.memory_space<vmem_shared>>) target(%dma_start3A_30 : memref<88x128xf32, #tpu.memory_space<vmem>>) offsets(%dma_start3A_32 : memref<88xi32, #tpu.memory_space<vmem>>) semaphore(%arg8 : memref<!tpu.dma_semaphore, #tpu.memory_space<semaphore_mem>>)
    %dma_wait3A = arith.constant 0 : i32
    %dma_wait3A_36 = arith.constant 0 : i32
    %dma_wait3A_37 = tpu.memref_slice %arg6[%dma_wait3A, %dma_wait3A_36] : memref<400x128xf32, #tpu.memory_space<vmem>> -> memref<104x128xf32, #tpu.memory_space<vmem>>
    %dma_wait3A_38 = arith.constant 0 : i32
    %dma_wait3A_39 = tpu.memref_slice %arg5[%dma_wait3A_38] : memref<400xi32, #tpu.memory_space<vmem>> -> memref<104xi32, #tpu.memory_space<vmem>>
    %dma_wait3A_40 = arith.constant 0 : i32
    %dma_wait3A_41 = arith.constant 0 : i32
    %dma_wait3A_42 = tpu.memref_slice %arg7[%dma_wait3A_40, %dma_wait3A_41] : memref<1008x128xf32, #tpu.memory_space<vmem_shared>> -> memref<1008x128xf32, #tpu.memory_space<vmem_shared>>
    tpu.wait_indirect_dma semaphore(%arg8 : memref<!tpu.dma_semaphore, #tpu.memory_space<semaphore_mem>>) src(%dma_wait3A_42 : memref<1008x128xf32, #tpu.memory_space<vmem_shared>>) dst(%dma_wait3A_37 : memref<104x128xf32, #tpu.memory_space<vmem>>)
    %dma_wait3A_43 = arith.constant 104 : i32
    %dma_wait3A_44 = arith.constant 0 : i32
    %dma_wait3A_45 = tpu.memref_slice %arg6[%dma_wait3A_43, %dma_wait3A_44] : memref<400x128xf32, #tpu.memory_space<vmem>> -> memref<104x128xf32, #tpu.memory_space<vmem>>
    %dma_wait3A_46 = arith.constant 104 : i32
    %dma_wait3A_47 = tpu.memref_slice %arg5[%dma_wait3A_46] : memref<400xi32, #tpu.memory_space<vmem>> -> memref<104xi32, #tpu.memory_space<vmem>>
    %dma_wait3A_48 = arith.constant 0 : i32
    %dma_wait3A_49 = arith.constant 0 : i32
    %dma_wait3A_50 = tpu.memref_slice %arg7[%dma_wait3A_48, %dma_wait3A_49] : memref<1008x128xf32, #tpu.memory_space<vmem_shared>> -> memref<1008x128xf32, #tpu.memory_space<vmem_shared>>
    tpu.wait_indirect_dma semaphore(%arg8 : memref<!tpu.dma_semaphore, #tpu.memory_space<semaphore_mem>>) src(%dma_wait3A_50 : memref<1008x128xf32, #tpu.memory_space<vmem_shared>>) dst(%dma_wait3A_45 : memref<104x128xf32, #tpu.memory_space<vmem>>)
    %dma_wait3A_51 = arith.constant 208 : i32
    %dma_wait3A_52 = arith.constant 0 : i32
    %dma_wait3A_53 = tpu.memref_slice %arg6[%dma_wait3A_51, %dma_wait3A_52] : memref<400x128xf32, #tpu.memory_space<vmem>> -> memref<104x128xf32, #tpu.memory_space<vmem>>
    %dma_wait3A_54 = arith.constant 208 : i32
    %dma_wait3A_55 = tpu.memref_slice %arg5[%dma_wait3A_54] : memref<400xi32, #tpu.memory_space<vmem>> -> memref<104xi32, #tpu.memory_space<vmem>>
    %dma_wait3A_56 = arith.constant 0 : i32
    %dma_wait3A_57 = arith.constant 0 : i32
    %dma_wait3A_58 = tpu.memref_slice %arg7[%dma_wait3A_56, %dma_wait3A_57] : memref<1008x128xf32, #tpu.memory_space<vmem_shared>> -> memref<1008x128xf32, #tpu.memory_space<vmem_shared>>
    tpu.wait_indirect_dma semaphore(%arg8 : memref<!tpu.dma_semaphore, #tpu.memory_space<semaphore_mem>>) src(%dma_wait3A_58 : memref<1008x128xf32, #tpu.memory_space<vmem_shared>>) dst(%dma_wait3A_53 : memref<104x128xf32, #tpu.memory_space<vmem>>)
    %dma_wait3A_59 = arith.constant 312 : i32
    %dma_wait3A_60 = arith.constant 0 : i32
    %dma_wait3A_61 = tpu.memref_slice %arg6[%dma_wait3A_59, %dma_wait3A_60] : memref<400x128xf32, #tpu.memory_space<vmem>> -> memref<88x128xf32, #tpu.memory_space<vmem>>
    %dma_wait3A_62 = arith.constant 312 : i32
    %dma_wait3A_63 = tpu.memref_slice %arg5[%dma_wait3A_62] : memref<400xi32, #tpu.memory_space<vmem>> -> memref<88xi32, #tpu.memory_space<vmem>>
    %dma_wait3A_64 = arith.constant 0 : i32
    %dma_wait3A_65 = arith.constant 0 : i32
    %dma_wait3A_66 = tpu.memref_slice %arg7[%dma_wait3A_64, %dma_wait3A_65] : memref<1008x128xf32, #tpu.memory_space<vmem_shared>> -> memref<1008x128xf32, #tpu.memory_space<vmem_shared>>
    tpu.wait_indirect_dma semaphore(%arg8 : memref<!tpu.dma_semaphore, #tpu.memory_space<semaphore_mem>>) src(%dma_wait3A_66 : memref<1008x128xf32, #tpu.memory_space<vmem_shared>>) dst(%dma_wait3A_61 : memref<88x128xf32, #tpu.memory_space<vmem>>)
    "tpu.region"() ({
      %run_scoped3A = tpu.sem_alloc : memref<!tpu.dma_semaphore, #tpu.memory_space<semaphore_mem>>
      %dma_start3A_67 = arith.constant 0 : i32
      %dma_start3A_68 = tpu.memref_slice %arg4[%mul3A_2, %dma_start3A_67] : memref<12800x128xf32, #tpu.memory_space<hbm>> -> memref<400x128xf32, #tpu.memory_space<hbm>>
      %dma_start3A_69 = arith.constant 0 : i32
      %dma_start3A_70 = tpu.memref_slice %arg4[%mul3A_2, %dma_start3A_69] : memref<12800x128xf32, #tpu.memory_space<hbm>> -> memref<400x128xf32, #tpu.memory_space<hbm>>
      tpu.enqueue_dma source(%arg6 : memref<400x128xf32, #tpu.memory_space<vmem>>) target(%dma_start3A_70 : memref<400x128xf32, #tpu.memory_space<hbm>>) target_semaphore(%run_scoped3A : memref<!tpu.dma_semaphore, #tpu.memory_space<semaphore_mem>>)
      %dma_wait3A_71 = arith.constant 0 : i32
      %dma_wait3A_72 = tpu.memref_slice %arg4[%mul3A_2, %dma_wait3A_71] : memref<12800x128xf32, #tpu.memory_space<hbm>> -> memref<400x128xf32, #tpu.memory_space<hbm>>
      %dma_wait3A_73 = arith.constant 0 : i32
      %dma_wait3A_74 = tpu.memref_slice %arg4[%mul3A_2, %dma_wait3A_73] : memref<12800x128xf32, #tpu.memory_space<hbm>> -> memref<400x128xf32, #tpu.memory_space<hbm>>
      tpu.wait_dma2 semaphore(%run_scoped3A : memref<!tpu.dma_semaphore, #tpu.memory_space<semaphore_mem>>) src(%arg6 : memref<400x128xf32, #tpu.memory_space<vmem>>) dst(%dma_wait3A_74 : memref<400x128xf32, #tpu.memory_space<hbm>>)
      tpu.yield
    }) : () -> ()
    return
  }
}

module attributes {stable_mosaic.version = 14 : i64} {
  func.func @_tc_body(%arg0: i32, %arg1: memref<64xi32, #tpu.memory_space<smem>>, %arg2: memref<1xi32, #tpu.memory_space<smem>>, %arg3: memref<8x200x1000xf32, #tpu.memory_space<vmem>>, %arg4: memref<8x200x1xi32, #tpu.memory_space<vmem>>, %arg5: memref<8x200x128xf32, #tpu.memory_space<vmem>>, %arg6: memref<8x200x128xf32, #tpu.memory_space<vmem>>, %arg7: memref<8x200x1xf32, #tpu.memory_space<vmem>>, %arg8: memref<8x1x200xf32, #tpu.memory_space<vmem>>, %arg9: memref<8x200x128xf32, #tpu.memory_space<vmem>>, %arg10: memref<8x200x128xf32, #tpu.memory_space<vmem>>, %arg11: memref<8x200x1xi32, #tpu.memory_space<vmem>>, %arg12: memref<1x1xi32, #tpu.memory_space<smem>>, %arg13: memref<1x1xi32, #tpu.memory_space<smem>>, %arg14: memref<1x1xi32, #tpu.memory_space<smem>>) attributes {dimension_semantics = [#tpu.dimension_semantics<arbitrary>], iteration_bounds = array<i64: 8>, scalar_prefetch = 0 : i64, scratch_operands = 0 : i64, tpu.core_type = #tpu.core_type<tc>, window_params = [{transform_indices = @transform_0, window_bounds = array<i64: 64>}, {transform_indices = @transform_1, window_bounds = array<i64: 1>}, {transform_indices = @transform_2, window_bounds = array<i64: 8, 200, 1000>}, {transform_indices = @transform_3, window_bounds = array<i64: 8, 200, 1>}, {transform_indices = @transform_4, window_bounds = array<i64: 8, 200, 128>}, {transform_indices = @transform_5, window_bounds = array<i64: 8, 200, 128>}, {transform_indices = @transform_6, window_bounds = array<i64: 8, 200, 1>}, {transform_indices = @transform_7, window_bounds = array<i64: 8, 1, 200>}, {transform_indices = @transform_8, window_bounds = array<i64: 8, 200, 128>}, {transform_indices = @transform_9, window_bounds = array<i64: 8, 200, 128>}, {transform_indices = @transform_10, window_bounds = array<i64: 8, 200, 1>}, {transform_indices = @transform_11, window_bounds = array<i64: 1, 1>}, {transform_indices = @transform_12, window_bounds = array<i64: 1, 1>}, {transform_indices = @transform_13, window_bounds = array<i64: 1, 1>}]} {
    %get3A = arith.constant 0 : index
    %get3A_0 = memref.load %arg2[%get3A] : memref<1xi32, #tpu.memory_space<smem>>
    %iota3A = tpu.iota {dimensions = array<i32: 1>} : vector<200x1000xi32>
    %convert_element_type3A = arith.sitofp %iota3A : vector<200x1000xi32> to vector<200x1000xf32>
    %iota3A_1 = tpu.iota {dimensions = array<i32: 0>} : vector<200x1xi32>
    %eq3A = arith.constant 0 : i32
    %eq3A_2 = arith.cmpi eq, %arg0, %eq3A : i32
    %convert_element_type3A_3 = arith.extui %eq3A_2 : i1 to i32
    %cond3A = arith.constant 0 : i32
    %cond3A_4 = arith.cmpi ne, %convert_element_type3A_3, %cond3A : i32
    scf.if %cond3A_4 {
      %swap3A_1069 = arith.constant 0 : i32
      %swap3A_1070 = arith.constant 0 : index
      %swap3A_1071 = arith.constant 0 : index
      %swap3A_1072 = memref.load %arg12[%swap3A_1070, %swap3A_1071] : memref<1x1xi32, #tpu.memory_space<smem>>
      memref.store %swap3A_1069, %arg12[%swap3A_1070, %swap3A_1071] : memref<1x1xi32, #tpu.memory_space<smem>>
      %swap3A_1073 = arith.constant 0 : i32
      %swap3A_1074 = arith.constant 0 : index
      %swap3A_1075 = arith.constant 0 : index
      %swap3A_1076 = memref.load %arg13[%swap3A_1074, %swap3A_1075] : memref<1x1xi32, #tpu.memory_space<smem>>
      memref.store %swap3A_1073, %arg13[%swap3A_1074, %swap3A_1075] : memref<1x1xi32, #tpu.memory_space<smem>>
      %swap3A_1077 = arith.constant 0 : i32
      %swap3A_1078 = arith.constant 0 : index
      %swap3A_1079 = arith.constant 0 : index
      %swap3A_1080 = memref.load %arg14[%swap3A_1078, %swap3A_1079] : memref<1x1xi32, #tpu.memory_space<smem>>
      memref.store %swap3A_1077, %arg14[%swap3A_1078, %swap3A_1079] : memref<1x1xi32, #tpu.memory_space<smem>>
    } else {
    }
    %mul3A = arith.constant 8 : i32
    %mul3A_5 = arith.muli %arg0, %mul3A : i32
    %add3A = arith.constant 0 : i32
    %add3A_6 = arith.addi %mul3A_5, %add3A : i32
    %get3A_7 = arith.index_cast %add3A_6 : i32 to index
    %get3A_8 = memref.load %arg1[%get3A_7] : memref<64xi32, #tpu.memory_space<smem>>
    %get3A_9 = arith.constant 0 : index
    %get3A_10 = arith.constant 0 : index
    %get3A_11 = arith.constant 0 : index
    %get3A_12 = vector.load %arg3[%get3A_9, %get3A_10, %get3A_11] : memref<8x200x1000xf32, #tpu.memory_space<vmem>>, vector<1x200x1000xf32>
    %get3A_13 = vector.shape_cast %get3A_12 : vector<1x200x1000xf32> to vector<200x1000xf32>
    %get3A_14 = arith.constant 0 : index
    %get3A_15 = arith.constant 0 : index
    %get3A_16 = arith.constant 0 : index
    %get3A_17 = vector.load %arg4[%get3A_14, %get3A_15, %get3A_16] : memref<8x200x1xi32, #tpu.memory_space<vmem>>, vector<1x200x1xi32>
    %get3A_18 = vector.shape_cast %get3A_17 : vector<1x200x1xi32> to vector<200x1xi32>
    %get3A_19 = arith.constant 0 : index
    %get3A_20 = arith.constant 0 : index
    %get3A_21 = arith.constant 0 : index
    %get3A_22 = vector.load %arg5[%get3A_19, %get3A_20, %get3A_21] : memref<8x200x128xf32, #tpu.memory_space<vmem>>, vector<1x200x128xf32>
    %get3A_23 = vector.shape_cast %get3A_22 : vector<1x200x128xf32> to vector<200x128xf32>
    %get3A_24 = arith.constant 0 : index
    %get3A_25 = arith.constant 0 : index
    %get3A_26 = arith.constant 0 : index
    %get3A_27 = vector.load %arg6[%get3A_24, %get3A_25, %get3A_26] : memref<8x200x128xf32, #tpu.memory_space<vmem>>, vector<1x200x128xf32>
    %get3A_28 = vector.shape_cast %get3A_27 : vector<1x200x128xf32> to vector<200x128xf32>
    %get3A_29 = arith.constant 0 : index
    %get3A_30 = arith.constant 0 : index
    %get3A_31 = arith.constant 0 : index
    %get3A_32 = vector.load %arg7[%get3A_29, %get3A_30, %get3A_31] : memref<8x200x1xf32, #tpu.memory_space<vmem>>, vector<1x200x1xf32>
    %get3A_33 = vector.shape_cast %get3A_32 : vector<1x200x1xf32> to vector<200x1xf32>
    %get3A_34 = arith.constant 0 : index
    %get3A_35 = arith.constant 0 : index
    %get3A_36 = arith.constant 0 : index
    %get3A_37 = vector.load %arg8[%get3A_34, %get3A_35, %get3A_36] : memref<8x1x200xf32, #tpu.memory_space<vmem>>, vector<1x1x200xf32>
    %get3A_38 = vector.shape_cast %get3A_37 : vector<1x1x200xf32> to vector<1x200xf32>
    %reduce_max3A = arith.constant dense<0xFF800000> : vector<200xf32>
    %reduce_max3A_39 = vector.multi_reduction <maximumf>, %get3A_13, %reduce_max3A [1] : vector<200x1000xf32> to vector<200xf32>
    %broadcast_in_dim3A = vector.shape_cast %reduce_max3A_39 : vector<200xf32> to vector<200x1xf32>
    %eq3A_40 = vector.broadcast %broadcast_in_dim3A : vector<200x1xf32> to vector<200x1000xf32>
    %eq3A_41 = arith.cmpf oeq, %get3A_13, %eq3A_40 : vector<200x1000xf32>
    %jit3A = arith.constant 2.048000e+03 : f32
    %broadcast_in_dim3A_42 = vector.broadcast %jit3A : f32 to vector<200x1000xf32>
    %select_n3A = arith.select %eq3A_41, %convert_element_type3A, %broadcast_in_dim3A_42 : vector<200x1000xi1>, vector<200x1000xf32>
    %reduce_min3A = arith.constant dense<0x7F800000> : vector<200xf32>
    %reduce_min3A_43 = vector.multi_reduction <minimumf>, %select_n3A, %reduce_min3A [1] : vector<200x1000xf32> to vector<200xf32>
    %broadcast_in_dim3A_44 = vector.shape_cast %reduce_min3A_43 : vector<200xf32> to vector<200x1xf32>
    %convert_element_type3A_45 = arith.fptosi %broadcast_in_dim3A_44 : vector<200x1xf32> to vector<200x1xi32>
    %ne3A = vector.broadcast %get3A_0 : i32 to vector<200x1xi32>
    %ne3A_46 = arith.cmpi ne, %get3A_18, %ne3A : vector<200x1xi32>
    %eq3A_47 = arith.cmpi eq, %get3A_18, %convert_element_type3A_45 : vector<200x1xi32>
    %and3A = arith.andi %eq3A_47, %ne3A_46 : vector<200x1xi1>
    %convert_element_type3A_48 = arith.extui %and3A : vector<200x1xi1> to vector<200x1xi32>
    %reduce_sum3A = vector.shape_cast %convert_element_type3A_48 : vector<200x1xi32> to vector<1x200x1xi32>
    %reduce_sum3A_49 = arith.constant dense<0> : vector<1xi32>
    %reduce_sum3A_50 = vector.multi_reduction <add>, %reduce_sum3A, %reduce_sum3A_49 [1, 2] : vector<1x200x1xi32> to vector<1xi32>
    %reduce_sum3A_51 = vector.shape_cast %reduce_sum3A_50 : vector<1xi32> to vector<1x1x1xi32>
    %reduce_sum3A_52 = vector.extract %reduce_sum3A_51[0, 0, 0] : i32 from vector<1x1x1xi32>
    %convert_element_type3A_53 = arith.sitofp %get3A_8 : i32 to f32
    %convert_element_type3A_54 = arith.sitofp %reduce_sum3A_52 : i32 to f32
    %sub3A = arith.subf %convert_element_type3A_53, %convert_element_type3A_54 : f32
    %mul3A_55 = arith.constant 2.000000e-01 : f32
    %mul3A_56 = arith.mulf %sub3A, %mul3A_55 : f32
    %convert_element_type3A_57 = arith.fptosi %mul3A_56 : f32 to i32
    %max3A = arith.constant 0 : i32
    %max3A_58 = arith.maxsi %convert_element_type3A_57, %max3A : i32
    %lt3A = vector.broadcast %get3A_8 : i32 to vector<200x1xi32>
    %lt3A_59 = arith.cmpi slt, %iota3A_1, %lt3A : vector<200x1xi32>
    %convert_element_type3A_60 = arith.extui %lt3A_59 : vector<200x1xi1> to vector<200x1xi32>
    %convert_element_type3A_61 = arith.sitofp %convert_element_type3A_60 : vector<200x1xi32> to vector<200x1xf32>
    %gt3A = vector.broadcast %get3A_38 : vector<1x200xf32> to vector<200x200xf32>
    %gt3A_62 = vector.broadcast %get3A_33 : vector<200x1xf32> to vector<200x200xf32>
    %gt3A_63 = arith.cmpf ogt, %gt3A, %gt3A_62 : vector<200x200xf32>
    %convert_element_type3A_64 = arith.extui %gt3A_63 : vector<200x200xi1> to vector<200x200xi32>
    %convert_element_type3A_65 = arith.sitofp %convert_element_type3A_64 : vector<200x200xi32> to vector<200x200xf32>
    %dot_general3A = arith.constant dense<0.000000e+00> : vector<200x1xf32>
    %dot_general3A_66 = tpu.matmul %convert_element_type3A_65, %convert_element_type3A_61, %dot_general3A {dimension_numbers = #tpu.dot_dimension_numbers<[1], [0], [0], [1], [0, 0, 1, 1], [], []>, transpose_lhs_hint = false} : vector<200x200xf32>, vector<200x1xf32>, vector<200x1xf32> -> vector<200x1xf32>
    %convert_element_type3A_67 = arith.sitofp %max3A_58 : i32 to f32
    %lt3A_68 = vector.broadcast %convert_element_type3A_67 : f32 to vector<200x1xf32>
    %lt3A_69 = arith.cmpf olt, %dot_general3A_66, %lt3A_68 : vector<200x1xf32>
    %and3A_70 = arith.andi %lt3A_69, %lt3A_59 : vector<200x1xi1>
    %and3A_71 = arith.andi %and3A_70, %ne3A_46 : vector<200x1xi1>
    %mul3A_72 = vector.broadcast %convert_element_type3A_61 : vector<200x1xf32> to vector<200x128xf32>
    %mul3A_73 = arith.mulf %get3A_28, %mul3A_72 : vector<200x128xf32>
    %broadcast_in_dim3A_74 = vector.shape_cast %and3A_71 : vector<200x1xi1> to vector<200x1xi1>
    %broadcast_in_dim3A_75 = vector.broadcast %broadcast_in_dim3A_74 : vector<200x1xi1> to vector<200x128xi1>
    %select_n3A_76 = arith.select %broadcast_in_dim3A_75, %get3A_23, %mul3A_73 : vector<200x128xi1>, vector<200x128xf32>
    %swap3A = arith.constant 0 : index
    %swap3A_77 = arith.constant 0 : index
    %swap3A_78 = arith.constant 0 : index
    %swap3A_79 = vector.load %arg9[%swap3A, %swap3A_77, %swap3A_78] : memref<8x200x128xf32, #tpu.memory_space<vmem>>, vector<1x200x128xf32>
    %swap3A_80 = vector.shape_cast %swap3A_79 : vector<1x200x128xf32> to vector<200x128xf32>
    %swap3A_81 = vector.shape_cast %select_n3A_76 : vector<200x128xf32> to vector<1x200x128xf32>
    tpu.vector_store %arg9[%swap3A, %swap3A_77, %swap3A_78], %swap3A_81 {strides = array<i32>} : memref<8x200x128xf32, #tpu.memory_space<vmem>>, vector<1x200x128xf32>,
    %mul3A_82 = vector.broadcast %convert_element_type3A_61 : vector<200x1xf32> to vector<200x128xf32>
    %mul3A_83 = arith.mulf %get3A_28, %mul3A_82 : vector<200x128xf32>
    %swap3A_84 = arith.constant 0 : index
    %swap3A_85 = arith.constant 0 : index
    %swap3A_86 = arith.constant 0 : index
    %swap3A_87 = vector.load %arg10[%swap3A_84, %swap3A_85, %swap3A_86] : memref<8x200x128xf32, #tpu.memory_space<vmem>>, vector<1x200x128xf32>
    %swap3A_88 = vector.shape_cast %swap3A_87 : vector<1x200x128xf32> to vector<200x128xf32>
    %swap3A_89 = vector.shape_cast %mul3A_83 : vector<200x128xf32> to vector<1x200x128xf32>
    tpu.vector_store %arg10[%swap3A_84, %swap3A_85, %swap3A_86], %swap3A_89 {strides = array<i32>} : memref<8x200x128xf32, #tpu.memory_space<vmem>>, vector<1x200x128xf32>,
    %convert_element_type3A_90 = arith.extui %lt3A_59 : vector<200x1xi1> to vector<200x1xi32>
    %swap3A_91 = arith.constant 0 : index
    %swap3A_92 = arith.constant 0 : index
    %swap3A_93 = arith.constant 0 : index
    %swap3A_94 = vector.load %arg11[%swap3A_91, %swap3A_92, %swap3A_93] : memref<8x200x1xi32, #tpu.memory_space<vmem>>, vector<1x200x1xi32>
    %swap3A_95 = vector.shape_cast %swap3A_94 : vector<1x200x1xi32> to vector<200x1xi32>
    %swap3A_96 = vector.shape_cast %convert_element_type3A_90 : vector<200x1xi32> to vector<1x200x1xi32>
    tpu.vector_store %arg11[%swap3A_91, %swap3A_92, %swap3A_93], %swap3A_96 {strides = array<i32>} : memref<8x200x1xi32, #tpu.memory_space<vmem>>, vector<1x200x1xi32>,
    %convert_element_type3A_97 = arith.extui %ne3A_46 : vector<200x1xi1> to vector<200x1xi32>
    %reduce_sum3A_98 = vector.shape_cast %convert_element_type3A_97 : vector<200x1xi32> to vector<1x200x1xi32>
    %reduce_sum3A_99 = arith.constant dense<0> : vector<1xi32>
    %reduce_sum3A_100 = vector.multi_reduction <add>, %reduce_sum3A_98, %reduce_sum3A_99 [1, 2] : vector<1x200x1xi32> to vector<1xi32>
    %reduce_sum3A_101 = vector.shape_cast %reduce_sum3A_100 : vector<1xi32> to vector<1x1x1xi32>
    %reduce_sum3A_102 = vector.extract %reduce_sum3A_101[0, 0, 0] : i32 from vector<1x1x1xi32>
    %get3A_103 = arith.constant 0 : index
    %get3A_104 = arith.constant 0 : index
    %get3A_105 = memref.load %arg12[%get3A_103, %get3A_104] : memref<1x1xi32, #tpu.memory_space<smem>>
    %add3A_106 = arith.addi %get3A_105, %reduce_sum3A_102 : i32
    %swap3A_107 = arith.constant 0 : index
    %swap3A_108 = arith.constant 0 : index
    %swap3A_109 = memref.load %arg12[%swap3A_107, %swap3A_108] : memref<1x1xi32, #tpu.memory_space<smem>>
    memref.store %add3A_106, %arg12[%swap3A_107, %swap3A_108] : memref<1x1xi32, #tpu.memory_space<smem>>
    %get3A_110 = arith.constant 0 : index
    %get3A_111 = arith.constant 0 : index
    %get3A_112 = memref.load %arg13[%get3A_110, %get3A_111] : memref<1x1xi32, #tpu.memory_space<smem>>
    %add3A_113 = arith.addi %get3A_112, %reduce_sum3A_52 : i32
    %swap3A_114 = arith.constant 0 : index
    %swap3A_115 = arith.constant 0 : index
    %swap3A_116 = memref.load %arg13[%swap3A_114, %swap3A_115] : memref<1x1xi32, #tpu.memory_space<smem>>
    memref.store %add3A_113, %arg13[%swap3A_114, %swap3A_115] : memref<1x1xi32, #tpu.memory_space<smem>>
    %get3A_117 = arith.constant 0 : index
    %get3A_118 = arith.constant 0 : index
    %get3A_119 = memref.load %arg14[%get3A_117, %get3A_118] : memref<1x1xi32, #tpu.memory_space<smem>>
    %add3A_120 = arith.addi %get3A_119, %max3A_58 : i32
    %swap3A_121 = arith.constant 0 : index
    %swap3A_122 = arith.constant 0 : index
    %swap3A_123 = memref.load %arg14[%swap3A_121, %swap3A_122] : memref<1x1xi32, #tpu.memory_space<smem>>
    memref.store %add3A_120, %arg14[%swap3A_121, %swap3A_122] : memref<1x1xi32, #tpu.memory_space<smem>>
    %mul3A_124 = arith.constant 8 : i32
    %mul3A_125 = arith.muli %arg0, %mul3A_124 : i32
    %add3A_126 = arith.constant 1 : i32
    %add3A_127 = arith.addi %mul3A_125, %add3A_126 : i32
    %get3A_128 = arith.index_cast %add3A_127 : i32 to index
    %get3A_129 = memref.load %arg1[%get3A_128] : memref<64xi32, #tpu.memory_space<smem>>
    %get3A_130 = arith.constant 1 : index
    %get3A_131 = arith.constant 0 : index
    %get3A_132 = arith.constant 0 : index
    %get3A_133 = vector.load %arg3[%get3A_130, %get3A_131, %get3A_132] : memref<8x200x1000xf32, #tpu.memory_space<vmem>>, vector<1x200x1000xf32>
    %get3A_134 = vector.shape_cast %get3A_133 : vector<1x200x1000xf32> to vector<200x1000xf32>
    %get3A_135 = arith.constant 1 : index
    %get3A_136 = arith.constant 0 : index
    %get3A_137 = arith.constant 0 : index
    %get3A_138 = vector.load %arg4[%get3A_135, %get3A_136, %get3A_137] : memref<8x200x1xi32, #tpu.memory_space<vmem>>, vector<1x200x1xi32>
    %get3A_139 = vector.shape_cast %get3A_138 : vector<1x200x1xi32> to vector<200x1xi32>
    %get3A_140 = arith.constant 1 : index
    %get3A_141 = arith.constant 0 : index
    %get3A_142 = arith.constant 0 : index
    %get3A_143 = vector.load %arg5[%get3A_140, %get3A_141, %get3A_142] : memref<8x200x128xf32, #tpu.memory_space<vmem>>, vector<1x200x128xf32>
    %get3A_144 = vector.shape_cast %get3A_143 : vector<1x200x128xf32> to vector<200x128xf32>
    %get3A_145 = arith.constant 1 : index
    %get3A_146 = arith.constant 0 : index
    %get3A_147 = arith.constant 0 : index
    %get3A_148 = vector.load %arg6[%get3A_145, %get3A_146, %get3A_147] : memref<8x200x128xf32, #tpu.memory_space<vmem>>, vector<1x200x128xf32>
    %get3A_149 = vector.shape_cast %get3A_148 : vector<1x200x128xf32> to vector<200x128xf32>
    %get3A_150 = arith.constant 1 : index
    %get3A_151 = arith.constant 0 : index
    %get3A_152 = arith.constant 0 : index
    %get3A_153 = vector.load %arg7[%get3A_150, %get3A_151, %get3A_152] : memref<8x200x1xf32, #tpu.memory_space<vmem>>, vector<1x200x1xf32>
    %get3A_154 = vector.shape_cast %get3A_153 : vector<1x200x1xf32> to vector<200x1xf32>
    %get3A_155 = arith.constant 1 : index
    %get3A_156 = arith.constant 0 : index
    %get3A_157 = arith.constant 0 : index
    %get3A_158 = vector.load %arg8[%get3A_155, %get3A_156, %get3A_157] : memref<8x1x200xf32, #tpu.memory_space<vmem>>, vector<1x1x200xf32>
    %get3A_159 = vector.shape_cast %get3A_158 : vector<1x1x200xf32> to vector<1x200xf32>
    %reduce_max3A_160 = arith.constant dense<0xFF800000> : vector<200xf32>
    %reduce_max3A_161 = vector.multi_reduction <maximumf>, %get3A_134, %reduce_max3A_160 [1] : vector<200x1000xf32> to vector<200xf32>
    %broadcast_in_dim3A_162 = vector.shape_cast %reduce_max3A_161 : vector<200xf32> to vector<200x1xf32>
    %eq3A_163 = vector.broadcast %broadcast_in_dim3A_162 : vector<200x1xf32> to vector<200x1000xf32>
    %eq3A_164 = arith.cmpf oeq, %get3A_134, %eq3A_163 : vector<200x1000xf32>
    %jit3A_165 = arith.constant 2.048000e+03 : f32
    %broadcast_in_dim3A_166 = vector.broadcast %jit3A_165 : f32 to vector<200x1000xf32>
    %select_n3A_167 = arith.select %eq3A_164, %convert_element_type3A, %broadcast_in_dim3A_166 : vector<200x1000xi1>, vector<200x1000xf32>
    %reduce_min3A_168 = arith.constant dense<0x7F800000> : vector<200xf32>
    %reduce_min3A_169 = vector.multi_reduction <minimumf>, %select_n3A_167, %reduce_min3A_168 [1] : vector<200x1000xf32> to vector<200xf32>
    %broadcast_in_dim3A_170 = vector.shape_cast %reduce_min3A_169 : vector<200xf32> to vector<200x1xf32>
    %convert_element_type3A_171 = arith.fptosi %broadcast_in_dim3A_170 : vector<200x1xf32> to vector<200x1xi32>
    %ne3A_172 = vector.broadcast %get3A_0 : i32 to vector<200x1xi32>
    %ne3A_173 = arith.cmpi ne, %get3A_139, %ne3A_172 : vector<200x1xi32>
    %eq3A_174 = arith.cmpi eq, %get3A_139, %convert_element_type3A_171 : vector<200x1xi32>
    %and3A_175 = arith.andi %eq3A_174, %ne3A_173 : vector<200x1xi1>
    %convert_element_type3A_176 = arith.extui %and3A_175 : vector<200x1xi1> to vector<200x1xi32>
    %reduce_sum3A_177 = vector.shape_cast %convert_element_type3A_176 : vector<200x1xi32> to vector<1x200x1xi32>
    %reduce_sum3A_178 = arith.constant dense<0> : vector<1xi32>
    %reduce_sum3A_179 = vector.multi_reduction <add>, %reduce_sum3A_177, %reduce_sum3A_178 [1, 2] : vector<1x200x1xi32> to vector<1xi32>
    %reduce_sum3A_180 = vector.shape_cast %reduce_sum3A_179 : vector<1xi32> to vector<1x1x1xi32>
    %reduce_sum3A_181 = vector.extract %reduce_sum3A_180[0, 0, 0] : i32 from vector<1x1x1xi32>
    %convert_element_type3A_182 = arith.sitofp %get3A_129 : i32 to f32
    %convert_element_type3A_183 = arith.sitofp %reduce_sum3A_181 : i32 to f32
    %sub3A_184 = arith.subf %convert_element_type3A_182, %convert_element_type3A_183 : f32
    %mul3A_185 = arith.constant 2.000000e-01 : f32
    %mul3A_186 = arith.mulf %sub3A_184, %mul3A_185 : f32
    %convert_element_type3A_187 = arith.fptosi %mul3A_186 : f32 to i32
    %max3A_188 = arith.constant 0 : i32
    %max3A_189 = arith.maxsi %convert_element_type3A_187, %max3A_188 : i32
    %lt3A_190 = vector.broadcast %get3A_129 : i32 to vector<200x1xi32>
    %lt3A_191 = arith.cmpi slt, %iota3A_1, %lt3A_190 : vector<200x1xi32>
    %convert_element_type3A_192 = arith.extui %lt3A_191 : vector<200x1xi1> to vector<200x1xi32>
    %convert_element_type3A_193 = arith.sitofp %convert_element_type3A_192 : vector<200x1xi32> to vector<200x1xf32>
    %gt3A_194 = vector.broadcast %get3A_159 : vector<1x200xf32> to vector<200x200xf32>
    %gt3A_195 = vector.broadcast %get3A_154 : vector<200x1xf32> to vector<200x200xf32>
    %gt3A_196 = arith.cmpf ogt, %gt3A_194, %gt3A_195 : vector<200x200xf32>
    %convert_element_type3A_197 = arith.extui %gt3A_196 : vector<200x200xi1> to vector<200x200xi32>
    %convert_element_type3A_198 = arith.sitofp %convert_element_type3A_197 : vector<200x200xi32> to vector<200x200xf32>
    %dot_general3A_199 = arith.constant dense<0.000000e+00> : vector<200x1xf32>
    %dot_general3A_200 = tpu.matmul %convert_element_type3A_198, %convert_element_type3A_193, %dot_general3A_199 {dimension_numbers = #tpu.dot_dimension_numbers<[1], [0], [0], [1], [0, 0, 1, 1], [], []>, transpose_lhs_hint = false} : vector<200x200xf32>, vector<200x1xf32>, vector<200x1xf32> -> vector<200x1xf32>
    %convert_element_type3A_201 = arith.sitofp %max3A_189 : i32 to f32
    %lt3A_202 = vector.broadcast %convert_element_type3A_201 : f32 to vector<200x1xf32>
    %lt3A_203 = arith.cmpf olt, %dot_general3A_200, %lt3A_202 : vector<200x1xf32>
    %and3A_204 = arith.andi %lt3A_203, %lt3A_191 : vector<200x1xi1>
    %and3A_205 = arith.andi %and3A_204, %ne3A_173 : vector<200x1xi1>
    %mul3A_206 = vector.broadcast %convert_element_type3A_193 : vector<200x1xf32> to vector<200x128xf32>
    %mul3A_207 = arith.mulf %get3A_149, %mul3A_206 : vector<200x128xf32>
    %broadcast_in_dim3A_208 = vector.shape_cast %and3A_205 : vector<200x1xi1> to vector<200x1xi1>
    %broadcast_in_dim3A_209 = vector.broadcast %broadcast_in_dim3A_208 : vector<200x1xi1> to vector<200x128xi1>
    %select_n3A_210 = arith.select %broadcast_in_dim3A_209, %get3A_144, %mul3A_207 : vector<200x128xi1>, vector<200x128xf32>
    %swap3A_211 = arith.constant 1 : index
    %swap3A_212 = arith.constant 0 : index
    %swap3A_213 = arith.constant 0 : index
    %swap3A_214 = vector.load %arg9[%swap3A_211, %swap3A_212, %swap3A_213] : memref<8x200x128xf32, #tpu.memory_space<vmem>>, vector<1x200x128xf32>
    %swap3A_215 = vector.shape_cast %swap3A_214 : vector<1x200x128xf32> to vector<200x128xf32>
    %swap3A_216 = vector.shape_cast %select_n3A_210 : vector<200x128xf32> to vector<1x200x128xf32>
    tpu.vector_store %arg9[%swap3A_211, %swap3A_212, %swap3A_213], %swap3A_216 {strides = array<i32>} : memref<8x200x128xf32, #tpu.memory_space<vmem>>, vector<1x200x128xf32>,
    %mul3A_217 = vector.broadcast %convert_element_type3A_193 : vector<200x1xf32> to vector<200x128xf32>
    %mul3A_218 = arith.mulf %get3A_149, %mul3A_217 : vector<200x128xf32>
    %swap3A_219 = arith.constant 1 : index
    %swap3A_220 = arith.constant 0 : index
    %swap3A_221 = arith.constant 0 : index
    %swap3A_222 = vector.load %arg10[%swap3A_219, %swap3A_220, %swap3A_221] : memref<8x200x128xf32, #tpu.memory_space<vmem>>, vector<1x200x128xf32>
    %swap3A_223 = vector.shape_cast %swap3A_222 : vector<1x200x128xf32> to vector<200x128xf32>
    %swap3A_224 = vector.shape_cast %mul3A_218 : vector<200x128xf32> to vector<1x200x128xf32>
    tpu.vector_store %arg10[%swap3A_219, %swap3A_220, %swap3A_221], %swap3A_224 {strides = array<i32>} : memref<8x200x128xf32, #tpu.memory_space<vmem>>, vector<1x200x128xf32>,
    %convert_element_type3A_225 = arith.extui %lt3A_191 : vector<200x1xi1> to vector<200x1xi32>
    %swap3A_226 = arith.constant 1 : index
    %swap3A_227 = arith.constant 0 : index
    %swap3A_228 = arith.constant 0 : index
    %swap3A_229 = vector.load %arg11[%swap3A_226, %swap3A_227, %swap3A_228] : memref<8x200x1xi32, #tpu.memory_space<vmem>>, vector<1x200x1xi32>
    %swap3A_230 = vector.shape_cast %swap3A_229 : vector<1x200x1xi32> to vector<200x1xi32>
    %swap3A_231 = vector.shape_cast %convert_element_type3A_225 : vector<200x1xi32> to vector<1x200x1xi32>
    tpu.vector_store %arg11[%swap3A_226, %swap3A_227, %swap3A_228], %swap3A_231 {strides = array<i32>} : memref<8x200x1xi32, #tpu.memory_space<vmem>>, vector<1x200x1xi32>,
    %convert_element_type3A_232 = arith.extui %ne3A_173 : vector<200x1xi1> to vector<200x1xi32>
    %reduce_sum3A_233 = vector.shape_cast %convert_element_type3A_232 : vector<200x1xi32> to vector<1x200x1xi32>
    %reduce_sum3A_234 = arith.constant dense<0> : vector<1xi32>
    %reduce_sum3A_235 = vector.multi_reduction <add>, %reduce_sum3A_233, %reduce_sum3A_234 [1, 2] : vector<1x200x1xi32> to vector<1xi32>
    %reduce_sum3A_236 = vector.shape_cast %reduce_sum3A_235 : vector<1xi32> to vector<1x1x1xi32>
    %reduce_sum3A_237 = vector.extract %reduce_sum3A_236[0, 0, 0] : i32 from vector<1x1x1xi32>
    %get3A_238 = arith.constant 0 : index
    %get3A_239 = arith.constant 0 : index
    %get3A_240 = memref.load %arg12[%get3A_238, %get3A_239] : memref<1x1xi32, #tpu.memory_space<smem>>
    %add3A_241 = arith.addi %get3A_240, %reduce_sum3A_237 : i32
    %swap3A_242 = arith.constant 0 : index
    %swap3A_243 = arith.constant 0 : index
    %swap3A_244 = memref.load %arg12[%swap3A_242, %swap3A_243] : memref<1x1xi32, #tpu.memory_space<smem>>
    memref.store %add3A_241, %arg12[%swap3A_242, %swap3A_243] : memref<1x1xi32, #tpu.memory_space<smem>>
    %get3A_245 = arith.constant 0 : index
    %get3A_246 = arith.constant 0 : index
    %get3A_247 = memref.load %arg13[%get3A_245, %get3A_246] : memref<1x1xi32, #tpu.memory_space<smem>>
    %add3A_248 = arith.addi %get3A_247, %reduce_sum3A_181 : i32
    %swap3A_249 = arith.constant 0 : index
    %swap3A_250 = arith.constant 0 : index
    %swap3A_251 = memref.load %arg13[%swap3A_249, %swap3A_250] : memref<1x1xi32, #tpu.memory_space<smem>>
    memref.store %add3A_248, %arg13[%swap3A_249, %swap3A_250] : memref<1x1xi32, #tpu.memory_space<smem>>
    %get3A_252 = arith.constant 0 : index
    %get3A_253 = arith.constant 0 : index
    %get3A_254 = memref.load %arg14[%get3A_252, %get3A_253] : memref<1x1xi32, #tpu.memory_space<smem>>
    %add3A_255 = arith.addi %get3A_254, %max3A_189 : i32
    %swap3A_256 = arith.constant 0 : index
    %swap3A_257 = arith.constant 0 : index
    %swap3A_258 = memref.load %arg14[%swap3A_256, %swap3A_257] : memref<1x1xi32, #tpu.memory_space<smem>>
    memref.store %add3A_255, %arg14[%swap3A_256, %swap3A_257] : memref<1x1xi32, #tpu.memory_space<smem>>
    %mul3A_259 = arith.constant 8 : i32
    %mul3A_260 = arith.muli %arg0, %mul3A_259 : i32
    %add3A_261 = arith.constant 2 : i32
    %add3A_262 = arith.addi %mul3A_260, %add3A_261 : i32
    %get3A_263 = arith.index_cast %add3A_262 : i32 to index
    %get3A_264 = memref.load %arg1[%get3A_263] : memref<64xi32, #tpu.memory_space<smem>>
    %get3A_265 = arith.constant 2 : index
    %get3A_266 = arith.constant 0 : index
    %get3A_267 = arith.constant 0 : index
    %get3A_268 = vector.load %arg3[%get3A_265, %get3A_266, %get3A_267] : memref<8x200x1000xf32, #tpu.memory_space<vmem>>, vector<1x200x1000xf32>
    %get3A_269 = vector.shape_cast %get3A_268 : vector<1x200x1000xf32> to vector<200x1000xf32>
    %get3A_270 = arith.constant 2 : index
    %get3A_271 = arith.constant 0 : index
    %get3A_272 = arith.constant 0 : index
    %get3A_273 = vector.load %arg4[%get3A_270, %get3A_271, %get3A_272] : memref<8x200x1xi32, #tpu.memory_space<vmem>>, vector<1x200x1xi32>
    %get3A_274 = vector.shape_cast %get3A_273 : vector<1x200x1xi32> to vector<200x1xi32>
    %get3A_275 = arith.constant 2 : index
    %get3A_276 = arith.constant 0 : index
    %get3A_277 = arith.constant 0 : index
    %get3A_278 = vector.load %arg5[%get3A_275, %get3A_276, %get3A_277] : memref<8x200x128xf32, #tpu.memory_space<vmem>>, vector<1x200x128xf32>
    %get3A_279 = vector.shape_cast %get3A_278 : vector<1x200x128xf32> to vector<200x128xf32>
    %get3A_280 = arith.constant 2 : index
    %get3A_281 = arith.constant 0 : index
    %get3A_282 = arith.constant 0 : index
    %get3A_283 = vector.load %arg6[%get3A_280, %get3A_281, %get3A_282] : memref<8x200x128xf32, #tpu.memory_space<vmem>>, vector<1x200x128xf32>
    %get3A_284 = vector.shape_cast %get3A_283 : vector<1x200x128xf32> to vector<200x128xf32>
    %get3A_285 = arith.constant 2 : index
    %get3A_286 = arith.constant 0 : index
    %get3A_287 = arith.constant 0 : index
    %get3A_288 = vector.load %arg7[%get3A_285, %get3A_286, %get3A_287] : memref<8x200x1xf32, #tpu.memory_space<vmem>>, vector<1x200x1xf32>
    %get3A_289 = vector.shape_cast %get3A_288 : vector<1x200x1xf32> to vector<200x1xf32>
    %get3A_290 = arith.constant 2 : index
    %get3A_291 = arith.constant 0 : index
    %get3A_292 = arith.constant 0 : index
    %get3A_293 = vector.load %arg8[%get3A_290, %get3A_291, %get3A_292] : memref<8x1x200xf32, #tpu.memory_space<vmem>>, vector<1x1x200xf32>
    %get3A_294 = vector.shape_cast %get3A_293 : vector<1x1x200xf32> to vector<1x200xf32>
    %reduce_max3A_295 = arith.constant dense<0xFF800000> : vector<200xf32>
    %reduce_max3A_296 = vector.multi_reduction <maximumf>, %get3A_269, %reduce_max3A_295 [1] : vector<200x1000xf32> to vector<200xf32>
    %broadcast_in_dim3A_297 = vector.shape_cast %reduce_max3A_296 : vector<200xf32> to vector<200x1xf32>
    %eq3A_298 = vector.broadcast %broadcast_in_dim3A_297 : vector<200x1xf32> to vector<200x1000xf32>
    %eq3A_299 = arith.cmpf oeq, %get3A_269, %eq3A_298 : vector<200x1000xf32>
    %jit3A_300 = arith.constant 2.048000e+03 : f32
    %broadcast_in_dim3A_301 = vector.broadcast %jit3A_300 : f32 to vector<200x1000xf32>
    %select_n3A_302 = arith.select %eq3A_299, %convert_element_type3A, %broadcast_in_dim3A_301 : vector<200x1000xi1>, vector<200x1000xf32>
    %reduce_min3A_303 = arith.constant dense<0x7F800000> : vector<200xf32>
    %reduce_min3A_304 = vector.multi_reduction <minimumf>, %select_n3A_302, %reduce_min3A_303 [1] : vector<200x1000xf32> to vector<200xf32>
    %broadcast_in_dim3A_305 = vector.shape_cast %reduce_min3A_304 : vector<200xf32> to vector<200x1xf32>
    %convert_element_type3A_306 = arith.fptosi %broadcast_in_dim3A_305 : vector<200x1xf32> to vector<200x1xi32>
    %ne3A_307 = vector.broadcast %get3A_0 : i32 to vector<200x1xi32>
    %ne3A_308 = arith.cmpi ne, %get3A_274, %ne3A_307 : vector<200x1xi32>
    %eq3A_309 = arith.cmpi eq, %get3A_274, %convert_element_type3A_306 : vector<200x1xi32>
    %and3A_310 = arith.andi %eq3A_309, %ne3A_308 : vector<200x1xi1>
    %convert_element_type3A_311 = arith.extui %and3A_310 : vector<200x1xi1> to vector<200x1xi32>
    %reduce_sum3A_312 = vector.shape_cast %convert_element_type3A_311 : vector<200x1xi32> to vector<1x200x1xi32>
    %reduce_sum3A_313 = arith.constant dense<0> : vector<1xi32>
    %reduce_sum3A_314 = vector.multi_reduction <add>, %reduce_sum3A_312, %reduce_sum3A_313 [1, 2] : vector<1x200x1xi32> to vector<1xi32>
    %reduce_sum3A_315 = vector.shape_cast %reduce_sum3A_314 : vector<1xi32> to vector<1x1x1xi32>
    %reduce_sum3A_316 = vector.extract %reduce_sum3A_315[0, 0, 0] : i32 from vector<1x1x1xi32>
    %convert_element_type3A_317 = arith.sitofp %get3A_264 : i32 to f32
    %convert_element_type3A_318 = arith.sitofp %reduce_sum3A_316 : i32 to f32
    %sub3A_319 = arith.subf %convert_element_type3A_317, %convert_element_type3A_318 : f32
    %mul3A_320 = arith.constant 2.000000e-01 : f32
    %mul3A_321 = arith.mulf %sub3A_319, %mul3A_320 : f32
    %convert_element_type3A_322 = arith.fptosi %mul3A_321 : f32 to i32
    %max3A_323 = arith.constant 0 : i32
    %max3A_324 = arith.maxsi %convert_element_type3A_322, %max3A_323 : i32
    %lt3A_325 = vector.broadcast %get3A_264 : i32 to vector<200x1xi32>
    %lt3A_326 = arith.cmpi slt, %iota3A_1, %lt3A_325 : vector<200x1xi32>
    %convert_element_type3A_327 = arith.extui %lt3A_326 : vector<200x1xi1> to vector<200x1xi32>
    %convert_element_type3A_328 = arith.sitofp %convert_element_type3A_327 : vector<200x1xi32> to vector<200x1xf32>
    %gt3A_329 = vector.broadcast %get3A_294 : vector<1x200xf32> to vector<200x200xf32>
    %gt3A_330 = vector.broadcast %get3A_289 : vector<200x1xf32> to vector<200x200xf32>
    %gt3A_331 = arith.cmpf ogt, %gt3A_329, %gt3A_330 : vector<200x200xf32>
    %convert_element_type3A_332 = arith.extui %gt3A_331 : vector<200x200xi1> to vector<200x200xi32>
    %convert_element_type3A_333 = arith.sitofp %convert_element_type3A_332 : vector<200x200xi32> to vector<200x200xf32>
    %dot_general3A_334 = arith.constant dense<0.000000e+00> : vector<200x1xf32>
    %dot_general3A_335 = tpu.matmul %convert_element_type3A_333, %convert_element_type3A_328, %dot_general3A_334 {dimension_numbers = #tpu.dot_dimension_numbers<[1], [0], [0], [1], [0, 0, 1, 1], [], []>, transpose_lhs_hint = false} : vector<200x200xf32>, vector<200x1xf32>, vector<200x1xf32> -> vector<200x1xf32>
    %convert_element_type3A_336 = arith.sitofp %max3A_324 : i32 to f32
    %lt3A_337 = vector.broadcast %convert_element_type3A_336 : f32 to vector<200x1xf32>
    %lt3A_338 = arith.cmpf olt, %dot_general3A_335, %lt3A_337 : vector<200x1xf32>
    %and3A_339 = arith.andi %lt3A_338, %lt3A_326 : vector<200x1xi1>
    %and3A_340 = arith.andi %and3A_339, %ne3A_308 : vector<200x1xi1>
    %mul3A_341 = vector.broadcast %convert_element_type3A_328 : vector<200x1xf32> to vector<200x128xf32>
    %mul3A_342 = arith.mulf %get3A_284, %mul3A_341 : vector<200x128xf32>
    %broadcast_in_dim3A_343 = vector.shape_cast %and3A_340 : vector<200x1xi1> to vector<200x1xi1>
    %broadcast_in_dim3A_344 = vector.broadcast %broadcast_in_dim3A_343 : vector<200x1xi1> to vector<200x128xi1>
    %select_n3A_345 = arith.select %broadcast_in_dim3A_344, %get3A_279, %mul3A_342 : vector<200x128xi1>, vector<200x128xf32>
    %swap3A_346 = arith.constant 2 : index
    %swap3A_347 = arith.constant 0 : index
    %swap3A_348 = arith.constant 0 : index
    %swap3A_349 = vector.load %arg9[%swap3A_346, %swap3A_347, %swap3A_348] : memref<8x200x128xf32, #tpu.memory_space<vmem>>, vector<1x200x128xf32>
    %swap3A_350 = vector.shape_cast %swap3A_349 : vector<1x200x128xf32> to vector<200x128xf32>
    %swap3A_351 = vector.shape_cast %select_n3A_345 : vector<200x128xf32> to vector<1x200x128xf32>
    tpu.vector_store %arg9[%swap3A_346, %swap3A_347, %swap3A_348], %swap3A_351 {strides = array<i32>} : memref<8x200x128xf32, #tpu.memory_space<vmem>>, vector<1x200x128xf32>,
    %mul3A_352 = vector.broadcast %convert_element_type3A_328 : vector<200x1xf32> to vector<200x128xf32>
    %mul3A_353 = arith.mulf %get3A_284, %mul3A_352 : vector<200x128xf32>
    %swap3A_354 = arith.constant 2 : index
    %swap3A_355 = arith.constant 0 : index
    %swap3A_356 = arith.constant 0 : index
    %swap3A_357 = vector.load %arg10[%swap3A_354, %swap3A_355, %swap3A_356] : memref<8x200x128xf32, #tpu.memory_space<vmem>>, vector<1x200x128xf32>
    %swap3A_358 = vector.shape_cast %swap3A_357 : vector<1x200x128xf32> to vector<200x128xf32>
    %swap3A_359 = vector.shape_cast %mul3A_353 : vector<200x128xf32> to vector<1x200x128xf32>
    tpu.vector_store %arg10[%swap3A_354, %swap3A_355, %swap3A_356], %swap3A_359 {strides = array<i32>} : memref<8x200x128xf32, #tpu.memory_space<vmem>>, vector<1x200x128xf32>,
    %convert_element_type3A_360 = arith.extui %lt3A_326 : vector<200x1xi1> to vector<200x1xi32>
    %swap3A_361 = arith.constant 2 : index
    %swap3A_362 = arith.constant 0 : index
    %swap3A_363 = arith.constant 0 : index
    %swap3A_364 = vector.load %arg11[%swap3A_361, %swap3A_362, %swap3A_363] : memref<8x200x1xi32, #tpu.memory_space<vmem>>, vector<1x200x1xi32>
    %swap3A_365 = vector.shape_cast %swap3A_364 : vector<1x200x1xi32> to vector<200x1xi32>
    %swap3A_366 = vector.shape_cast %convert_element_type3A_360 : vector<200x1xi32> to vector<1x200x1xi32>
    tpu.vector_store %arg11[%swap3A_361, %swap3A_362, %swap3A_363], %swap3A_366 {strides = array<i32>} : memref<8x200x1xi32, #tpu.memory_space<vmem>>, vector<1x200x1xi32>,
    %convert_element_type3A_367 = arith.extui %ne3A_308 : vector<200x1xi1> to vector<200x1xi32>
    %reduce_sum3A_368 = vector.shape_cast %convert_element_type3A_367 : vector<200x1xi32> to vector<1x200x1xi32>
    %reduce_sum3A_369 = arith.constant dense<0> : vector<1xi32>
    %reduce_sum3A_370 = vector.multi_reduction <add>, %reduce_sum3A_368, %reduce_sum3A_369 [1, 2] : vector<1x200x1xi32> to vector<1xi32>
    %reduce_sum3A_371 = vector.shape_cast %reduce_sum3A_370 : vector<1xi32> to vector<1x1x1xi32>
    %reduce_sum3A_372 = vector.extract %reduce_sum3A_371[0, 0, 0] : i32 from vector<1x1x1xi32>
    %get3A_373 = arith.constant 0 : index
    %get3A_374 = arith.constant 0 : index
    %get3A_375 = memref.load %arg12[%get3A_373, %get3A_374] : memref<1x1xi32, #tpu.memory_space<smem>>
    %add3A_376 = arith.addi %get3A_375, %reduce_sum3A_372 : i32
    %swap3A_377 = arith.constant 0 : index
    %swap3A_378 = arith.constant 0 : index
    %swap3A_379 = memref.load %arg12[%swap3A_377, %swap3A_378] : memref<1x1xi32, #tpu.memory_space<smem>>
    memref.store %add3A_376, %arg12[%swap3A_377, %swap3A_378] : memref<1x1xi32, #tpu.memory_space<smem>>
    %get3A_380 = arith.constant 0 : index
    %get3A_381 = arith.constant 0 : index
    %get3A_382 = memref.load %arg13[%get3A_380, %get3A_381] : memref<1x1xi32, #tpu.memory_space<smem>>
    %add3A_383 = arith.addi %get3A_382, %reduce_sum3A_316 : i32
    %swap3A_384 = arith.constant 0 : index
    %swap3A_385 = arith.constant 0 : index
    %swap3A_386 = memref.load %arg13[%swap3A_384, %swap3A_385] : memref<1x1xi32, #tpu.memory_space<smem>>
    memref.store %add3A_383, %arg13[%swap3A_384, %swap3A_385] : memref<1x1xi32, #tpu.memory_space<smem>>
    %get3A_387 = arith.constant 0 : index
    %get3A_388 = arith.constant 0 : index
    %get3A_389 = memref.load %arg14[%get3A_387, %get3A_388] : memref<1x1xi32, #tpu.memory_space<smem>>
    %add3A_390 = arith.addi %get3A_389, %max3A_324 : i32
    %swap3A_391 = arith.constant 0 : index
    %swap3A_392 = arith.constant 0 : index
    %swap3A_393 = memref.load %arg14[%swap3A_391, %swap3A_392] : memref<1x1xi32, #tpu.memory_space<smem>>
    memref.store %add3A_390, %arg14[%swap3A_391, %swap3A_392] : memref<1x1xi32, #tpu.memory_space<smem>>
    %mul3A_394 = arith.constant 8 : i32
    %mul3A_395 = arith.muli %arg0, %mul3A_394 : i32
    %add3A_396 = arith.constant 3 : i32
    %add3A_397 = arith.addi %mul3A_395, %add3A_396 : i32
    %get3A_398 = arith.index_cast %add3A_397 : i32 to index
    %get3A_399 = memref.load %arg1[%get3A_398] : memref<64xi32, #tpu.memory_space<smem>>
    %get3A_400 = arith.constant 3 : index
    %get3A_401 = arith.constant 0 : index
    %get3A_402 = arith.constant 0 : index
    %get3A_403 = vector.load %arg3[%get3A_400, %get3A_401, %get3A_402] : memref<8x200x1000xf32, #tpu.memory_space<vmem>>, vector<1x200x1000xf32>
    %get3A_404 = vector.shape_cast %get3A_403 : vector<1x200x1000xf32> to vector<200x1000xf32>
    %get3A_405 = arith.constant 3 : index
    %get3A_406 = arith.constant 0 : index
    %get3A_407 = arith.constant 0 : index
    %get3A_408 = vector.load %arg4[%get3A_405, %get3A_406, %get3A_407] : memref<8x200x1xi32, #tpu.memory_space<vmem>>, vector<1x200x1xi32>
    %get3A_409 = vector.shape_cast %get3A_408 : vector<1x200x1xi32> to vector<200x1xi32>
    %get3A_410 = arith.constant 3 : index
    %get3A_411 = arith.constant 0 : index
    %get3A_412 = arith.constant 0 : index
    %get3A_413 = vector.load %arg5[%get3A_410, %get3A_411, %get3A_412] : memref<8x200x128xf32, #tpu.memory_space<vmem>>, vector<1x200x128xf32>
    %get3A_414 = vector.shape_cast %get3A_413 : vector<1x200x128xf32> to vector<200x128xf32>
    %get3A_415 = arith.constant 3 : index
    %get3A_416 = arith.constant 0 : index
    %get3A_417 = arith.constant 0 : index
    %get3A_418 = vector.load %arg6[%get3A_415, %get3A_416, %get3A_417] : memref<8x200x128xf32, #tpu.memory_space<vmem>>, vector<1x200x128xf32>
    %get3A_419 = vector.shape_cast %get3A_418 : vector<1x200x128xf32> to vector<200x128xf32>
    %get3A_420 = arith.constant 3 : index
    %get3A_421 = arith.constant 0 : index
    %get3A_422 = arith.constant 0 : index
    %get3A_423 = vector.load %arg7[%get3A_420, %get3A_421, %get3A_422] : memref<8x200x1xf32, #tpu.memory_space<vmem>>, vector<1x200x1xf32>
    %get3A_424 = vector.shape_cast %get3A_423 : vector<1x200x1xf32> to vector<200x1xf32>
    %get3A_425 = arith.constant 3 : index
    %get3A_426 = arith.constant 0 : index
    %get3A_427 = arith.constant 0 : index
    %get3A_428 = vector.load %arg8[%get3A_425, %get3A_426, %get3A_427] : memref<8x1x200xf32, #tpu.memory_space<vmem>>, vector<1x1x200xf32>
    %get3A_429 = vector.shape_cast %get3A_428 : vector<1x1x200xf32> to vector<1x200xf32>
    %reduce_max3A_430 = arith.constant dense<0xFF800000> : vector<200xf32>
    %reduce_max3A_431 = vector.multi_reduction <maximumf>, %get3A_404, %reduce_max3A_430 [1] : vector<200x1000xf32> to vector<200xf32>
    %broadcast_in_dim3A_432 = vector.shape_cast %reduce_max3A_431 : vector<200xf32> to vector<200x1xf32>
    %eq3A_433 = vector.broadcast %broadcast_in_dim3A_432 : vector<200x1xf32> to vector<200x1000xf32>
    %eq3A_434 = arith.cmpf oeq, %get3A_404, %eq3A_433 : vector<200x1000xf32>
    %jit3A_435 = arith.constant 2.048000e+03 : f32
    %broadcast_in_dim3A_436 = vector.broadcast %jit3A_435 : f32 to vector<200x1000xf32>
    %select_n3A_437 = arith.select %eq3A_434, %convert_element_type3A, %broadcast_in_dim3A_436 : vector<200x1000xi1>, vector<200x1000xf32>
    %reduce_min3A_438 = arith.constant dense<0x7F800000> : vector<200xf32>
    %reduce_min3A_439 = vector.multi_reduction <minimumf>, %select_n3A_437, %reduce_min3A_438 [1] : vector<200x1000xf32> to vector<200xf32>
    %broadcast_in_dim3A_440 = vector.shape_cast %reduce_min3A_439 : vector<200xf32> to vector<200x1xf32>
    %convert_element_type3A_441 = arith.fptosi %broadcast_in_dim3A_440 : vector<200x1xf32> to vector<200x1xi32>
    %ne3A_442 = vector.broadcast %get3A_0 : i32 to vector<200x1xi32>
    %ne3A_443 = arith.cmpi ne, %get3A_409, %ne3A_442 : vector<200x1xi32>
    %eq3A_444 = arith.cmpi eq, %get3A_409, %convert_element_type3A_441 : vector<200x1xi32>
    %and3A_445 = arith.andi %eq3A_444, %ne3A_443 : vector<200x1xi1>
    %convert_element_type3A_446 = arith.extui %and3A_445 : vector<200x1xi1> to vector<200x1xi32>
    %reduce_sum3A_447 = vector.shape_cast %convert_element_type3A_446 : vector<200x1xi32> to vector<1x200x1xi32>
    %reduce_sum3A_448 = arith.constant dense<0> : vector<1xi32>
    %reduce_sum3A_449 = vector.multi_reduction <add>, %reduce_sum3A_447, %reduce_sum3A_448 [1, 2] : vector<1x200x1xi32> to vector<1xi32>
    %reduce_sum3A_450 = vector.shape_cast %reduce_sum3A_449 : vector<1xi32> to vector<1x1x1xi32>
    %reduce_sum3A_451 = vector.extract %reduce_sum3A_450[0, 0, 0] : i32 from vector<1x1x1xi32>
    %convert_element_type3A_452 = arith.sitofp %get3A_399 : i32 to f32
    %convert_element_type3A_453 = arith.sitofp %reduce_sum3A_451 : i32 to f32
    %sub3A_454 = arith.subf %convert_element_type3A_452, %convert_element_type3A_453 : f32
    %mul3A_455 = arith.constant 2.000000e-01 : f32
    %mul3A_456 = arith.mulf %sub3A_454, %mul3A_455 : f32
    %convert_element_type3A_457 = arith.fptosi %mul3A_456 : f32 to i32
    %max3A_458 = arith.constant 0 : i32
    %max3A_459 = arith.maxsi %convert_element_type3A_457, %max3A_458 : i32
    %lt3A_460 = vector.broadcast %get3A_399 : i32 to vector<200x1xi32>
    %lt3A_461 = arith.cmpi slt, %iota3A_1, %lt3A_460 : vector<200x1xi32>
    %convert_element_type3A_462 = arith.extui %lt3A_461 : vector<200x1xi1> to vector<200x1xi32>
    %convert_element_type3A_463 = arith.sitofp %convert_element_type3A_462 : vector<200x1xi32> to vector<200x1xf32>
    %gt3A_464 = vector.broadcast %get3A_429 : vector<1x200xf32> to vector<200x200xf32>
    %gt3A_465 = vector.broadcast %get3A_424 : vector<200x1xf32> to vector<200x200xf32>
    %gt3A_466 = arith.cmpf ogt, %gt3A_464, %gt3A_465 : vector<200x200xf32>
    %convert_element_type3A_467 = arith.extui %gt3A_466 : vector<200x200xi1> to vector<200x200xi32>
    %convert_element_type3A_468 = arith.sitofp %convert_element_type3A_467 : vector<200x200xi32> to vector<200x200xf32>
    %dot_general3A_469 = arith.constant dense<0.000000e+00> : vector<200x1xf32>
    %dot_general3A_470 = tpu.matmul %convert_element_type3A_468, %convert_element_type3A_463, %dot_general3A_469 {dimension_numbers = #tpu.dot_dimension_numbers<[1], [0], [0], [1], [0, 0, 1, 1], [], []>, transpose_lhs_hint = false} : vector<200x200xf32>, vector<200x1xf32>, vector<200x1xf32> -> vector<200x1xf32>
    %convert_element_type3A_471 = arith.sitofp %max3A_459 : i32 to f32
    %lt3A_472 = vector.broadcast %convert_element_type3A_471 : f32 to vector<200x1xf32>
    %lt3A_473 = arith.cmpf olt, %dot_general3A_470, %lt3A_472 : vector<200x1xf32>
    %and3A_474 = arith.andi %lt3A_473, %lt3A_461 : vector<200x1xi1>
    %and3A_475 = arith.andi %and3A_474, %ne3A_443 : vector<200x1xi1>
    %mul3A_476 = vector.broadcast %convert_element_type3A_463 : vector<200x1xf32> to vector<200x128xf32>
    %mul3A_477 = arith.mulf %get3A_419, %mul3A_476 : vector<200x128xf32>
    %broadcast_in_dim3A_478 = vector.shape_cast %and3A_475 : vector<200x1xi1> to vector<200x1xi1>
    %broadcast_in_dim3A_479 = vector.broadcast %broadcast_in_dim3A_478 : vector<200x1xi1> to vector<200x128xi1>
    %select_n3A_480 = arith.select %broadcast_in_dim3A_479, %get3A_414, %mul3A_477 : vector<200x128xi1>, vector<200x128xf32>
    %swap3A_481 = arith.constant 3 : index
    %swap3A_482 = arith.constant 0 : index
    %swap3A_483 = arith.constant 0 : index
    %swap3A_484 = vector.load %arg9[%swap3A_481, %swap3A_482, %swap3A_483] : memref<8x200x128xf32, #tpu.memory_space<vmem>>, vector<1x200x128xf32>
    %swap3A_485 = vector.shape_cast %swap3A_484 : vector<1x200x128xf32> to vector<200x128xf32>
    %swap3A_486 = vector.shape_cast %select_n3A_480 : vector<200x128xf32> to vector<1x200x128xf32>
    tpu.vector_store %arg9[%swap3A_481, %swap3A_482, %swap3A_483], %swap3A_486 {strides = array<i32>} : memref<8x200x128xf32, #tpu.memory_space<vmem>>, vector<1x200x128xf32>,
    %mul3A_487 = vector.broadcast %convert_element_type3A_463 : vector<200x1xf32> to vector<200x128xf32>
    %mul3A_488 = arith.mulf %get3A_419, %mul3A_487 : vector<200x128xf32>
    %swap3A_489 = arith.constant 3 : index
    %swap3A_490 = arith.constant 0 : index
    %swap3A_491 = arith.constant 0 : index
    %swap3A_492 = vector.load %arg10[%swap3A_489, %swap3A_490, %swap3A_491] : memref<8x200x128xf32, #tpu.memory_space<vmem>>, vector<1x200x128xf32>
    %swap3A_493 = vector.shape_cast %swap3A_492 : vector<1x200x128xf32> to vector<200x128xf32>
    %swap3A_494 = vector.shape_cast %mul3A_488 : vector<200x128xf32> to vector<1x200x128xf32>
    tpu.vector_store %arg10[%swap3A_489, %swap3A_490, %swap3A_491], %swap3A_494 {strides = array<i32>} : memref<8x200x128xf32, #tpu.memory_space<vmem>>, vector<1x200x128xf32>,
    %convert_element_type3A_495 = arith.extui %lt3A_461 : vector<200x1xi1> to vector<200x1xi32>
    %swap3A_496 = arith.constant 3 : index
    %swap3A_497 = arith.constant 0 : index
    %swap3A_498 = arith.constant 0 : index
    %swap3A_499 = vector.load %arg11[%swap3A_496, %swap3A_497, %swap3A_498] : memref<8x200x1xi32, #tpu.memory_space<vmem>>, vector<1x200x1xi32>
    %swap3A_500 = vector.shape_cast %swap3A_499 : vector<1x200x1xi32> to vector<200x1xi32>
    %swap3A_501 = vector.shape_cast %convert_element_type3A_495 : vector<200x1xi32> to vector<1x200x1xi32>
    tpu.vector_store %arg11[%swap3A_496, %swap3A_497, %swap3A_498], %swap3A_501 {strides = array<i32>} : memref<8x200x1xi32, #tpu.memory_space<vmem>>, vector<1x200x1xi32>,
    %convert_element_type3A_502 = arith.extui %ne3A_443 : vector<200x1xi1> to vector<200x1xi32>
    %reduce_sum3A_503 = vector.shape_cast %convert_element_type3A_502 : vector<200x1xi32> to vector<1x200x1xi32>
    %reduce_sum3A_504 = arith.constant dense<0> : vector<1xi32>
    %reduce_sum3A_505 = vector.multi_reduction <add>, %reduce_sum3A_503, %reduce_sum3A_504 [1, 2] : vector<1x200x1xi32> to vector<1xi32>
    %reduce_sum3A_506 = vector.shape_cast %reduce_sum3A_505 : vector<1xi32> to vector<1x1x1xi32>
    %reduce_sum3A_507 = vector.extract %reduce_sum3A_506[0, 0, 0] : i32 from vector<1x1x1xi32>
    %get3A_508 = arith.constant 0 : index
    %get3A_509 = arith.constant 0 : index
    %get3A_510 = memref.load %arg12[%get3A_508, %get3A_509] : memref<1x1xi32, #tpu.memory_space<smem>>
    %add3A_511 = arith.addi %get3A_510, %reduce_sum3A_507 : i32
    %swap3A_512 = arith.constant 0 : index
    %swap3A_513 = arith.constant 0 : index
    %swap3A_514 = memref.load %arg12[%swap3A_512, %swap3A_513] : memref<1x1xi32, #tpu.memory_space<smem>>
    memref.store %add3A_511, %arg12[%swap3A_512, %swap3A_513] : memref<1x1xi32, #tpu.memory_space<smem>>
    %get3A_515 = arith.constant 0 : index
    %get3A_516 = arith.constant 0 : index
    %get3A_517 = memref.load %arg13[%get3A_515, %get3A_516] : memref<1x1xi32, #tpu.memory_space<smem>>
    %add3A_518 = arith.addi %get3A_517, %reduce_sum3A_451 : i32
    %swap3A_519 = arith.constant 0 : index
    %swap3A_520 = arith.constant 0 : index
    %swap3A_521 = memref.load %arg13[%swap3A_519, %swap3A_520] : memref<1x1xi32, #tpu.memory_space<smem>>
    memref.store %add3A_518, %arg13[%swap3A_519, %swap3A_520] : memref<1x1xi32, #tpu.memory_space<smem>>
    %get3A_522 = arith.constant 0 : index
    %get3A_523 = arith.constant 0 : index
    %get3A_524 = memref.load %arg14[%get3A_522, %get3A_523] : memref<1x1xi32, #tpu.memory_space<smem>>
    %add3A_525 = arith.addi %get3A_524, %max3A_459 : i32
    %swap3A_526 = arith.constant 0 : index
    %swap3A_527 = arith.constant 0 : index
    %swap3A_528 = memref.load %arg14[%swap3A_526, %swap3A_527] : memref<1x1xi32, #tpu.memory_space<smem>>
    memref.store %add3A_525, %arg14[%swap3A_526, %swap3A_527] : memref<1x1xi32, #tpu.memory_space<smem>>
    %mul3A_529 = arith.constant 8 : i32
    %mul3A_530 = arith.muli %arg0, %mul3A_529 : i32
    %add3A_531 = arith.constant 4 : i32
    %add3A_532 = arith.addi %mul3A_530, %add3A_531 : i32
    %get3A_533 = arith.index_cast %add3A_532 : i32 to index
    %get3A_534 = memref.load %arg1[%get3A_533] : memref<64xi32, #tpu.memory_space<smem>>
    %get3A_535 = arith.constant 4 : index
    %get3A_536 = arith.constant 0 : index
    %get3A_537 = arith.constant 0 : index
    %get3A_538 = vector.load %arg3[%get3A_535, %get3A_536, %get3A_537] : memref<8x200x1000xf32, #tpu.memory_space<vmem>>, vector<1x200x1000xf32>
    %get3A_539 = vector.shape_cast %get3A_538 : vector<1x200x1000xf32> to vector<200x1000xf32>
    %get3A_540 = arith.constant 4 : index
    %get3A_541 = arith.constant 0 : index
    %get3A_542 = arith.constant 0 : index
    %get3A_543 = vector.load %arg4[%get3A_540, %get3A_541, %get3A_542] : memref<8x200x1xi32, #tpu.memory_space<vmem>>, vector<1x200x1xi32>
    %get3A_544 = vector.shape_cast %get3A_543 : vector<1x200x1xi32> to vector<200x1xi32>
    %get3A_545 = arith.constant 4 : index
    %get3A_546 = arith.constant 0 : index
    %get3A_547 = arith.constant 0 : index
    %get3A_548 = vector.load %arg5[%get3A_545, %get3A_546, %get3A_547] : memref<8x200x128xf32, #tpu.memory_space<vmem>>, vector<1x200x128xf32>
    %get3A_549 = vector.shape_cast %get3A_548 : vector<1x200x128xf32> to vector<200x128xf32>
    %get3A_550 = arith.constant 4 : index
    %get3A_551 = arith.constant 0 : index
    %get3A_552 = arith.constant 0 : index
    %get3A_553 = vector.load %arg6[%get3A_550, %get3A_551, %get3A_552] : memref<8x200x128xf32, #tpu.memory_space<vmem>>, vector<1x200x128xf32>
    %get3A_554 = vector.shape_cast %get3A_553 : vector<1x200x128xf32> to vector<200x128xf32>
    %get3A_555 = arith.constant 4 : index
    %get3A_556 = arith.constant 0 : index
    %get3A_557 = arith.constant 0 : index
    %get3A_558 = vector.load %arg7[%get3A_555, %get3A_556, %get3A_557] : memref<8x200x1xf32, #tpu.memory_space<vmem>>, vector<1x200x1xf32>
    %get3A_559 = vector.shape_cast %get3A_558 : vector<1x200x1xf32> to vector<200x1xf32>
    %get3A_560 = arith.constant 4 : index
    %get3A_561 = arith.constant 0 : index
    %get3A_562 = arith.constant 0 : index
    %get3A_563 = vector.load %arg8[%get3A_560, %get3A_561, %get3A_562] : memref<8x1x200xf32, #tpu.memory_space<vmem>>, vector<1x1x200xf32>
    %get3A_564 = vector.shape_cast %get3A_563 : vector<1x1x200xf32> to vector<1x200xf32>
    %reduce_max3A_565 = arith.constant dense<0xFF800000> : vector<200xf32>
    %reduce_max3A_566 = vector.multi_reduction <maximumf>, %get3A_539, %reduce_max3A_565 [1] : vector<200x1000xf32> to vector<200xf32>
    %broadcast_in_dim3A_567 = vector.shape_cast %reduce_max3A_566 : vector<200xf32> to vector<200x1xf32>
    %eq3A_568 = vector.broadcast %broadcast_in_dim3A_567 : vector<200x1xf32> to vector<200x1000xf32>
    %eq3A_569 = arith.cmpf oeq, %get3A_539, %eq3A_568 : vector<200x1000xf32>
    %jit3A_570 = arith.constant 2.048000e+03 : f32
    %broadcast_in_dim3A_571 = vector.broadcast %jit3A_570 : f32 to vector<200x1000xf32>
    %select_n3A_572 = arith.select %eq3A_569, %convert_element_type3A, %broadcast_in_dim3A_571 : vector<200x1000xi1>, vector<200x1000xf32>
    %reduce_min3A_573 = arith.constant dense<0x7F800000> : vector<200xf32>
    %reduce_min3A_574 = vector.multi_reduction <minimumf>, %select_n3A_572, %reduce_min3A_573 [1] : vector<200x1000xf32> to vector<200xf32>
    %broadcast_in_dim3A_575 = vector.shape_cast %reduce_min3A_574 : vector<200xf32> to vector<200x1xf32>
    %convert_element_type3A_576 = arith.fptosi %broadcast_in_dim3A_575 : vector<200x1xf32> to vector<200x1xi32>
    %ne3A_577 = vector.broadcast %get3A_0 : i32 to vector<200x1xi32>
    %ne3A_578 = arith.cmpi ne, %get3A_544, %ne3A_577 : vector<200x1xi32>
    %eq3A_579 = arith.cmpi eq, %get3A_544, %convert_element_type3A_576 : vector<200x1xi32>
    %and3A_580 = arith.andi %eq3A_579, %ne3A_578 : vector<200x1xi1>
    %convert_element_type3A_581 = arith.extui %and3A_580 : vector<200x1xi1> to vector<200x1xi32>
    %reduce_sum3A_582 = vector.shape_cast %convert_element_type3A_581 : vector<200x1xi32> to vector<1x200x1xi32>
    %reduce_sum3A_583 = arith.constant dense<0> : vector<1xi32>
    %reduce_sum3A_584 = vector.multi_reduction <add>, %reduce_sum3A_582, %reduce_sum3A_583 [1, 2] : vector<1x200x1xi32> to vector<1xi32>
    %reduce_sum3A_585 = vector.shape_cast %reduce_sum3A_584 : vector<1xi32> to vector<1x1x1xi32>
    %reduce_sum3A_586 = vector.extract %reduce_sum3A_585[0, 0, 0] : i32 from vector<1x1x1xi32>
    %convert_element_type3A_587 = arith.sitofp %get3A_534 : i32 to f32
    %convert_element_type3A_588 = arith.sitofp %reduce_sum3A_586 : i32 to f32
    %sub3A_589 = arith.subf %convert_element_type3A_587, %convert_element_type3A_588 : f32
    %mul3A_590 = arith.constant 2.000000e-01 : f32
    %mul3A_591 = arith.mulf %sub3A_589, %mul3A_590 : f32
    %convert_element_type3A_592 = arith.fptosi %mul3A_591 : f32 to i32
    %max3A_593 = arith.constant 0 : i32
    %max3A_594 = arith.maxsi %convert_element_type3A_592, %max3A_593 : i32
    %lt3A_595 = vector.broadcast %get3A_534 : i32 to vector<200x1xi32>
    %lt3A_596 = arith.cmpi slt, %iota3A_1, %lt3A_595 : vector<200x1xi32>
    %convert_element_type3A_597 = arith.extui %lt3A_596 : vector<200x1xi1> to vector<200x1xi32>
    %convert_element_type3A_598 = arith.sitofp %convert_element_type3A_597 : vector<200x1xi32> to vector<200x1xf32>
    %gt3A_599 = vector.broadcast %get3A_564 : vector<1x200xf32> to vector<200x200xf32>
    %gt3A_600 = vector.broadcast %get3A_559 : vector<200x1xf32> to vector<200x200xf32>
    %gt3A_601 = arith.cmpf ogt, %gt3A_599, %gt3A_600 : vector<200x200xf32>
    %convert_element_type3A_602 = arith.extui %gt3A_601 : vector<200x200xi1> to vector<200x200xi32>
    %convert_element_type3A_603 = arith.sitofp %convert_element_type3A_602 : vector<200x200xi32> to vector<200x200xf32>
    %dot_general3A_604 = arith.constant dense<0.000000e+00> : vector<200x1xf32>
    %dot_general3A_605 = tpu.matmul %convert_element_type3A_603, %convert_element_type3A_598, %dot_general3A_604 {dimension_numbers = #tpu.dot_dimension_numbers<[1], [0], [0], [1], [0, 0, 1, 1], [], []>, transpose_lhs_hint = false} : vector<200x200xf32>, vector<200x1xf32>, vector<200x1xf32> -> vector<200x1xf32>
    %convert_element_type3A_606 = arith.sitofp %max3A_594 : i32 to f32
    %lt3A_607 = vector.broadcast %convert_element_type3A_606 : f32 to vector<200x1xf32>
    %lt3A_608 = arith.cmpf olt, %dot_general3A_605, %lt3A_607 : vector<200x1xf32>
    %and3A_609 = arith.andi %lt3A_608, %lt3A_596 : vector<200x1xi1>
    %and3A_610 = arith.andi %and3A_609, %ne3A_578 : vector<200x1xi1>
    %mul3A_611 = vector.broadcast %convert_element_type3A_598 : vector<200x1xf32> to vector<200x128xf32>
    %mul3A_612 = arith.mulf %get3A_554, %mul3A_611 : vector<200x128xf32>
    %broadcast_in_dim3A_613 = vector.shape_cast %and3A_610 : vector<200x1xi1> to vector<200x1xi1>
    %broadcast_in_dim3A_614 = vector.broadcast %broadcast_in_dim3A_613 : vector<200x1xi1> to vector<200x128xi1>
    %select_n3A_615 = arith.select %broadcast_in_dim3A_614, %get3A_549, %mul3A_612 : vector<200x128xi1>, vector<200x128xf32>
    %swap3A_616 = arith.constant 4 : index
    %swap3A_617 = arith.constant 0 : index
    %swap3A_618 = arith.constant 0 : index
    %swap3A_619 = vector.load %arg9[%swap3A_616, %swap3A_617, %swap3A_618] : memref<8x200x128xf32, #tpu.memory_space<vmem>>, vector<1x200x128xf32>
    %swap3A_620 = vector.shape_cast %swap3A_619 : vector<1x200x128xf32> to vector<200x128xf32>
    %swap3A_621 = vector.shape_cast %select_n3A_615 : vector<200x128xf32> to vector<1x200x128xf32>
    tpu.vector_store %arg9[%swap3A_616, %swap3A_617, %swap3A_618], %swap3A_621 {strides = array<i32>} : memref<8x200x128xf32, #tpu.memory_space<vmem>>, vector<1x200x128xf32>,
    %mul3A_622 = vector.broadcast %convert_element_type3A_598 : vector<200x1xf32> to vector<200x128xf32>
    %mul3A_623 = arith.mulf %get3A_554, %mul3A_622 : vector<200x128xf32>
    %swap3A_624 = arith.constant 4 : index
    %swap3A_625 = arith.constant 0 : index
    %swap3A_626 = arith.constant 0 : index
    %swap3A_627 = vector.load %arg10[%swap3A_624, %swap3A_625, %swap3A_626] : memref<8x200x128xf32, #tpu.memory_space<vmem>>, vector<1x200x128xf32>
    %swap3A_628 = vector.shape_cast %swap3A_627 : vector<1x200x128xf32> to vector<200x128xf32>
    %swap3A_629 = vector.shape_cast %mul3A_623 : vector<200x128xf32> to vector<1x200x128xf32>
    tpu.vector_store %arg10[%swap3A_624, %swap3A_625, %swap3A_626], %swap3A_629 {strides = array<i32>} : memref<8x200x128xf32, #tpu.memory_space<vmem>>, vector<1x200x128xf32>,
    %convert_element_type3A_630 = arith.extui %lt3A_596 : vector<200x1xi1> to vector<200x1xi32>
    %swap3A_631 = arith.constant 4 : index
    %swap3A_632 = arith.constant 0 : index
    %swap3A_633 = arith.constant 0 : index
    %swap3A_634 = vector.load %arg11[%swap3A_631, %swap3A_632, %swap3A_633] : memref<8x200x1xi32, #tpu.memory_space<vmem>>, vector<1x200x1xi32>
    %swap3A_635 = vector.shape_cast %swap3A_634 : vector<1x200x1xi32> to vector<200x1xi32>
    %swap3A_636 = vector.shape_cast %convert_element_type3A_630 : vector<200x1xi32> to vector<1x200x1xi32>
    tpu.vector_store %arg11[%swap3A_631, %swap3A_632, %swap3A_633], %swap3A_636 {strides = array<i32>} : memref<8x200x1xi32, #tpu.memory_space<vmem>>, vector<1x200x1xi32>,
    %convert_element_type3A_637 = arith.extui %ne3A_578 : vector<200x1xi1> to vector<200x1xi32>
    %reduce_sum3A_638 = vector.shape_cast %convert_element_type3A_637 : vector<200x1xi32> to vector<1x200x1xi32>
    %reduce_sum3A_639 = arith.constant dense<0> : vector<1xi32>
    %reduce_sum3A_640 = vector.multi_reduction <add>, %reduce_sum3A_638, %reduce_sum3A_639 [1, 2] : vector<1x200x1xi32> to vector<1xi32>
    %reduce_sum3A_641 = vector.shape_cast %reduce_sum3A_640 : vector<1xi32> to vector<1x1x1xi32>
    %reduce_sum3A_642 = vector.extract %reduce_sum3A_641[0, 0, 0] : i32 from vector<1x1x1xi32>
    %get3A_643 = arith.constant 0 : index
    %get3A_644 = arith.constant 0 : index
    %get3A_645 = memref.load %arg12[%get3A_643, %get3A_644] : memref<1x1xi32, #tpu.memory_space<smem>>
    %add3A_646 = arith.addi %get3A_645, %reduce_sum3A_642 : i32
    %swap3A_647 = arith.constant 0 : index
    %swap3A_648 = arith.constant 0 : index
    %swap3A_649 = memref.load %arg12[%swap3A_647, %swap3A_648] : memref<1x1xi32, #tpu.memory_space<smem>>
    memref.store %add3A_646, %arg12[%swap3A_647, %swap3A_648] : memref<1x1xi32, #tpu.memory_space<smem>>
    %get3A_650 = arith.constant 0 : index
    %get3A_651 = arith.constant 0 : index
    %get3A_652 = memref.load %arg13[%get3A_650, %get3A_651] : memref<1x1xi32, #tpu.memory_space<smem>>
    %add3A_653 = arith.addi %get3A_652, %reduce_sum3A_586 : i32
    %swap3A_654 = arith.constant 0 : index
    %swap3A_655 = arith.constant 0 : index
    %swap3A_656 = memref.load %arg13[%swap3A_654, %swap3A_655] : memref<1x1xi32, #tpu.memory_space<smem>>
    memref.store %add3A_653, %arg13[%swap3A_654, %swap3A_655] : memref<1x1xi32, #tpu.memory_space<smem>>
    %get3A_657 = arith.constant 0 : index
    %get3A_658 = arith.constant 0 : index
    %get3A_659 = memref.load %arg14[%get3A_657, %get3A_658] : memref<1x1xi32, #tpu.memory_space<smem>>
    %add3A_660 = arith.addi %get3A_659, %max3A_594 : i32
    %swap3A_661 = arith.constant 0 : index
    %swap3A_662 = arith.constant 0 : index
    %swap3A_663 = memref.load %arg14[%swap3A_661, %swap3A_662] : memref<1x1xi32, #tpu.memory_space<smem>>
    memref.store %add3A_660, %arg14[%swap3A_661, %swap3A_662] : memref<1x1xi32, #tpu.memory_space<smem>>
    %mul3A_664 = arith.constant 8 : i32
    %mul3A_665 = arith.muli %arg0, %mul3A_664 : i32
    %add3A_666 = arith.constant 5 : i32
    %add3A_667 = arith.addi %mul3A_665, %add3A_666 : i32
    %get3A_668 = arith.index_cast %add3A_667 : i32 to index
    %get3A_669 = memref.load %arg1[%get3A_668] : memref<64xi32, #tpu.memory_space<smem>>
    %get3A_670 = arith.constant 5 : index
    %get3A_671 = arith.constant 0 : index
    %get3A_672 = arith.constant 0 : index
    %get3A_673 = vector.load %arg3[%get3A_670, %get3A_671, %get3A_672] : memref<8x200x1000xf32, #tpu.memory_space<vmem>>, vector<1x200x1000xf32>
    %get3A_674 = vector.shape_cast %get3A_673 : vector<1x200x1000xf32> to vector<200x1000xf32>
    %get3A_675 = arith.constant 5 : index
    %get3A_676 = arith.constant 0 : index
    %get3A_677 = arith.constant 0 : index
    %get3A_678 = vector.load %arg4[%get3A_675, %get3A_676, %get3A_677] : memref<8x200x1xi32, #tpu.memory_space<vmem>>, vector<1x200x1xi32>
    %get3A_679 = vector.shape_cast %get3A_678 : vector<1x200x1xi32> to vector<200x1xi32>
    %get3A_680 = arith.constant 5 : index
    %get3A_681 = arith.constant 0 : index
    %get3A_682 = arith.constant 0 : index
    %get3A_683 = vector.load %arg5[%get3A_680, %get3A_681, %get3A_682] : memref<8x200x128xf32, #tpu.memory_space<vmem>>, vector<1x200x128xf32>
    %get3A_684 = vector.shape_cast %get3A_683 : vector<1x200x128xf32> to vector<200x128xf32>
    %get3A_685 = arith.constant 5 : index
    %get3A_686 = arith.constant 0 : index
    %get3A_687 = arith.constant 0 : index
    %get3A_688 = vector.load %arg6[%get3A_685, %get3A_686, %get3A_687] : memref<8x200x128xf32, #tpu.memory_space<vmem>>, vector<1x200x128xf32>
    %get3A_689 = vector.shape_cast %get3A_688 : vector<1x200x128xf32> to vector<200x128xf32>
    %get3A_690 = arith.constant 5 : index
    %get3A_691 = arith.constant 0 : index
    %get3A_692 = arith.constant 0 : index
    %get3A_693 = vector.load %arg7[%get3A_690, %get3A_691, %get3A_692] : memref<8x200x1xf32, #tpu.memory_space<vmem>>, vector<1x200x1xf32>
    %get3A_694 = vector.shape_cast %get3A_693 : vector<1x200x1xf32> to vector<200x1xf32>
    %get3A_695 = arith.constant 5 : index
    %get3A_696 = arith.constant 0 : index
    %get3A_697 = arith.constant 0 : index
    %get3A_698 = vector.load %arg8[%get3A_695, %get3A_696, %get3A_697] : memref<8x1x200xf32, #tpu.memory_space<vmem>>, vector<1x1x200xf32>
    %get3A_699 = vector.shape_cast %get3A_698 : vector<1x1x200xf32> to vector<1x200xf32>
    %reduce_max3A_700 = arith.constant dense<0xFF800000> : vector<200xf32>
    %reduce_max3A_701 = vector.multi_reduction <maximumf>, %get3A_674, %reduce_max3A_700 [1] : vector<200x1000xf32> to vector<200xf32>
    %broadcast_in_dim3A_702 = vector.shape_cast %reduce_max3A_701 : vector<200xf32> to vector<200x1xf32>
    %eq3A_703 = vector.broadcast %broadcast_in_dim3A_702 : vector<200x1xf32> to vector<200x1000xf32>
    %eq3A_704 = arith.cmpf oeq, %get3A_674, %eq3A_703 : vector<200x1000xf32>
    %jit3A_705 = arith.constant 2.048000e+03 : f32
    %broadcast_in_dim3A_706 = vector.broadcast %jit3A_705 : f32 to vector<200x1000xf32>
    %select_n3A_707 = arith.select %eq3A_704, %convert_element_type3A, %broadcast_in_dim3A_706 : vector<200x1000xi1>, vector<200x1000xf32>
    %reduce_min3A_708 = arith.constant dense<0x7F800000> : vector<200xf32>
    %reduce_min3A_709 = vector.multi_reduction <minimumf>, %select_n3A_707, %reduce_min3A_708 [1] : vector<200x1000xf32> to vector<200xf32>
    %broadcast_in_dim3A_710 = vector.shape_cast %reduce_min3A_709 : vector<200xf32> to vector<200x1xf32>
    %convert_element_type3A_711 = arith.fptosi %broadcast_in_dim3A_710 : vector<200x1xf32> to vector<200x1xi32>
    %ne3A_712 = vector.broadcast %get3A_0 : i32 to vector<200x1xi32>
    %ne3A_713 = arith.cmpi ne, %get3A_679, %ne3A_712 : vector<200x1xi32>
    %eq3A_714 = arith.cmpi eq, %get3A_679, %convert_element_type3A_711 : vector<200x1xi32>
    %and3A_715 = arith.andi %eq3A_714, %ne3A_713 : vector<200x1xi1>
    %convert_element_type3A_716 = arith.extui %and3A_715 : vector<200x1xi1> to vector<200x1xi32>
    %reduce_sum3A_717 = vector.shape_cast %convert_element_type3A_716 : vector<200x1xi32> to vector<1x200x1xi32>
    %reduce_sum3A_718 = arith.constant dense<0> : vector<1xi32>
    %reduce_sum3A_719 = vector.multi_reduction <add>, %reduce_sum3A_717, %reduce_sum3A_718 [1, 2] : vector<1x200x1xi32> to vector<1xi32>
    %reduce_sum3A_720 = vector.shape_cast %reduce_sum3A_719 : vector<1xi32> to vector<1x1x1xi32>
    %reduce_sum3A_721 = vector.extract %reduce_sum3A_720[0, 0, 0] : i32 from vector<1x1x1xi32>
    %convert_element_type3A_722 = arith.sitofp %get3A_669 : i32 to f32
    %convert_element_type3A_723 = arith.sitofp %reduce_sum3A_721 : i32 to f32
    %sub3A_724 = arith.subf %convert_element_type3A_722, %convert_element_type3A_723 : f32
    %mul3A_725 = arith.constant 2.000000e-01 : f32
    %mul3A_726 = arith.mulf %sub3A_724, %mul3A_725 : f32
    %convert_element_type3A_727 = arith.fptosi %mul3A_726 : f32 to i32
    %max3A_728 = arith.constant 0 : i32
    %max3A_729 = arith.maxsi %convert_element_type3A_727, %max3A_728 : i32
    %lt3A_730 = vector.broadcast %get3A_669 : i32 to vector<200x1xi32>
    %lt3A_731 = arith.cmpi slt, %iota3A_1, %lt3A_730 : vector<200x1xi32>
    %convert_element_type3A_732 = arith.extui %lt3A_731 : vector<200x1xi1> to vector<200x1xi32>
    %convert_element_type3A_733 = arith.sitofp %convert_element_type3A_732 : vector<200x1xi32> to vector<200x1xf32>
    %gt3A_734 = vector.broadcast %get3A_699 : vector<1x200xf32> to vector<200x200xf32>
    %gt3A_735 = vector.broadcast %get3A_694 : vector<200x1xf32> to vector<200x200xf32>
    %gt3A_736 = arith.cmpf ogt, %gt3A_734, %gt3A_735 : vector<200x200xf32>
    %convert_element_type3A_737 = arith.extui %gt3A_736 : vector<200x200xi1> to vector<200x200xi32>
    %convert_element_type3A_738 = arith.sitofp %convert_element_type3A_737 : vector<200x200xi32> to vector<200x200xf32>
    %dot_general3A_739 = arith.constant dense<0.000000e+00> : vector<200x1xf32>
    %dot_general3A_740 = tpu.matmul %convert_element_type3A_738, %convert_element_type3A_733, %dot_general3A_739 {dimension_numbers = #tpu.dot_dimension_numbers<[1], [0], [0], [1], [0, 0, 1, 1], [], []>, transpose_lhs_hint = false} : vector<200x200xf32>, vector<200x1xf32>, vector<200x1xf32> -> vector<200x1xf32>
    %convert_element_type3A_741 = arith.sitofp %max3A_729 : i32 to f32
    %lt3A_742 = vector.broadcast %convert_element_type3A_741 : f32 to vector<200x1xf32>
    %lt3A_743 = arith.cmpf olt, %dot_general3A_740, %lt3A_742 : vector<200x1xf32>
    %and3A_744 = arith.andi %lt3A_743, %lt3A_731 : vector<200x1xi1>
    %and3A_745 = arith.andi %and3A_744, %ne3A_713 : vector<200x1xi1>
    %mul3A_746 = vector.broadcast %convert_element_type3A_733 : vector<200x1xf32> to vector<200x128xf32>
    %mul3A_747 = arith.mulf %get3A_689, %mul3A_746 : vector<200x128xf32>
    %broadcast_in_dim3A_748 = vector.shape_cast %and3A_745 : vector<200x1xi1> to vector<200x1xi1>
    %broadcast_in_dim3A_749 = vector.broadcast %broadcast_in_dim3A_748 : vector<200x1xi1> to vector<200x128xi1>
    %select_n3A_750 = arith.select %broadcast_in_dim3A_749, %get3A_684, %mul3A_747 : vector<200x128xi1>, vector<200x128xf32>
    %swap3A_751 = arith.constant 5 : index
    %swap3A_752 = arith.constant 0 : index
    %swap3A_753 = arith.constant 0 : index
    %swap3A_754 = vector.load %arg9[%swap3A_751, %swap3A_752, %swap3A_753] : memref<8x200x128xf32, #tpu.memory_space<vmem>>, vector<1x200x128xf32>
    %swap3A_755 = vector.shape_cast %swap3A_754 : vector<1x200x128xf32> to vector<200x128xf32>
    %swap3A_756 = vector.shape_cast %select_n3A_750 : vector<200x128xf32> to vector<1x200x128xf32>
    tpu.vector_store %arg9[%swap3A_751, %swap3A_752, %swap3A_753], %swap3A_756 {strides = array<i32>} : memref<8x200x128xf32, #tpu.memory_space<vmem>>, vector<1x200x128xf32>,
    %mul3A_757 = vector.broadcast %convert_element_type3A_733 : vector<200x1xf32> to vector<200x128xf32>
    %mul3A_758 = arith.mulf %get3A_689, %mul3A_757 : vector<200x128xf32>
    %swap3A_759 = arith.constant 5 : index
    %swap3A_760 = arith.constant 0 : index
    %swap3A_761 = arith.constant 0 : index
    %swap3A_762 = vector.load %arg10[%swap3A_759, %swap3A_760, %swap3A_761] : memref<8x200x128xf32, #tpu.memory_space<vmem>>, vector<1x200x128xf32>
    %swap3A_763 = vector.shape_cast %swap3A_762 : vector<1x200x128xf32> to vector<200x128xf32>
    %swap3A_764 = vector.shape_cast %mul3A_758 : vector<200x128xf32> to vector<1x200x128xf32>
    tpu.vector_store %arg10[%swap3A_759, %swap3A_760, %swap3A_761], %swap3A_764 {strides = array<i32>} : memref<8x200x128xf32, #tpu.memory_space<vmem>>, vector<1x200x128xf32>,
    %convert_element_type3A_765 = arith.extui %lt3A_731 : vector<200x1xi1> to vector<200x1xi32>
    %swap3A_766 = arith.constant 5 : index
    %swap3A_767 = arith.constant 0 : index
    %swap3A_768 = arith.constant 0 : index
    %swap3A_769 = vector.load %arg11[%swap3A_766, %swap3A_767, %swap3A_768] : memref<8x200x1xi32, #tpu.memory_space<vmem>>, vector<1x200x1xi32>
    %swap3A_770 = vector.shape_cast %swap3A_769 : vector<1x200x1xi32> to vector<200x1xi32>
    %swap3A_771 = vector.shape_cast %convert_element_type3A_765 : vector<200x1xi32> to vector<1x200x1xi32>
    tpu.vector_store %arg11[%swap3A_766, %swap3A_767, %swap3A_768], %swap3A_771 {strides = array<i32>} : memref<8x200x1xi32, #tpu.memory_space<vmem>>, vector<1x200x1xi32>,
    %convert_element_type3A_772 = arith.extui %ne3A_713 : vector<200x1xi1> to vector<200x1xi32>
    %reduce_sum3A_773 = vector.shape_cast %convert_element_type3A_772 : vector<200x1xi32> to vector<1x200x1xi32>
    %reduce_sum3A_774 = arith.constant dense<0> : vector<1xi32>
    %reduce_sum3A_775 = vector.multi_reduction <add>, %reduce_sum3A_773, %reduce_sum3A_774 [1, 2] : vector<1x200x1xi32> to vector<1xi32>
    %reduce_sum3A_776 = vector.shape_cast %reduce_sum3A_775 : vector<1xi32> to vector<1x1x1xi32>
    %reduce_sum3A_777 = vector.extract %reduce_sum3A_776[0, 0, 0] : i32 from vector<1x1x1xi32>
    %get3A_778 = arith.constant 0 : index
    %get3A_779 = arith.constant 0 : index
    %get3A_780 = memref.load %arg12[%get3A_778, %get3A_779] : memref<1x1xi32, #tpu.memory_space<smem>>
    %add3A_781 = arith.addi %get3A_780, %reduce_sum3A_777 : i32
    %swap3A_782 = arith.constant 0 : index
    %swap3A_783 = arith.constant 0 : index
    %swap3A_784 = memref.load %arg12[%swap3A_782, %swap3A_783] : memref<1x1xi32, #tpu.memory_space<smem>>
    memref.store %add3A_781, %arg12[%swap3A_782, %swap3A_783] : memref<1x1xi32, #tpu.memory_space<smem>>
    %get3A_785 = arith.constant 0 : index
    %get3A_786 = arith.constant 0 : index
    %get3A_787 = memref.load %arg13[%get3A_785, %get3A_786] : memref<1x1xi32, #tpu.memory_space<smem>>
    %add3A_788 = arith.addi %get3A_787, %reduce_sum3A_721 : i32
    %swap3A_789 = arith.constant 0 : index
    %swap3A_790 = arith.constant 0 : index
    %swap3A_791 = memref.load %arg13[%swap3A_789, %swap3A_790] : memref<1x1xi32, #tpu.memory_space<smem>>
    memref.store %add3A_788, %arg13[%swap3A_789, %swap3A_790] : memref<1x1xi32, #tpu.memory_space<smem>>
    %get3A_792 = arith.constant 0 : index
    %get3A_793 = arith.constant 0 : index
    %get3A_794 = memref.load %arg14[%get3A_792, %get3A_793] : memref<1x1xi32, #tpu.memory_space<smem>>
    %add3A_795 = arith.addi %get3A_794, %max3A_729 : i32
    %swap3A_796 = arith.constant 0 : index
    %swap3A_797 = arith.constant 0 : index
    %swap3A_798 = memref.load %arg14[%swap3A_796, %swap3A_797] : memref<1x1xi32, #tpu.memory_space<smem>>
    memref.store %add3A_795, %arg14[%swap3A_796, %swap3A_797] : memref<1x1xi32, #tpu.memory_space<smem>>
    %mul3A_799 = arith.constant 8 : i32
    %mul3A_800 = arith.muli %arg0, %mul3A_799 : i32
    %add3A_801 = arith.constant 6 : i32
    %add3A_802 = arith.addi %mul3A_800, %add3A_801 : i32
    %get3A_803 = arith.index_cast %add3A_802 : i32 to index
    %get3A_804 = memref.load %arg1[%get3A_803] : memref<64xi32, #tpu.memory_space<smem>>
    %get3A_805 = arith.constant 6 : index
    %get3A_806 = arith.constant 0 : index
    %get3A_807 = arith.constant 0 : index
    %get3A_808 = vector.load %arg3[%get3A_805, %get3A_806, %get3A_807] : memref<8x200x1000xf32, #tpu.memory_space<vmem>>, vector<1x200x1000xf32>
    %get3A_809 = vector.shape_cast %get3A_808 : vector<1x200x1000xf32> to vector<200x1000xf32>
    %get3A_810 = arith.constant 6 : index
    %get3A_811 = arith.constant 0 : index
    %get3A_812 = arith.constant 0 : index
    %get3A_813 = vector.load %arg4[%get3A_810, %get3A_811, %get3A_812] : memref<8x200x1xi32, #tpu.memory_space<vmem>>, vector<1x200x1xi32>
    %get3A_814 = vector.shape_cast %get3A_813 : vector<1x200x1xi32> to vector<200x1xi32>
    %get3A_815 = arith.constant 6 : index
    %get3A_816 = arith.constant 0 : index
    %get3A_817 = arith.constant 0 : index
    %get3A_818 = vector.load %arg5[%get3A_815, %get3A_816, %get3A_817] : memref<8x200x128xf32, #tpu.memory_space<vmem>>, vector<1x200x128xf32>
    %get3A_819 = vector.shape_cast %get3A_818 : vector<1x200x128xf32> to vector<200x128xf32>
    %get3A_820 = arith.constant 6 : index
    %get3A_821 = arith.constant 0 : index
    %get3A_822 = arith.constant 0 : index
    %get3A_823 = vector.load %arg6[%get3A_820, %get3A_821, %get3A_822] : memref<8x200x128xf32, #tpu.memory_space<vmem>>, vector<1x200x128xf32>
    %get3A_824 = vector.shape_cast %get3A_823 : vector<1x200x128xf32> to vector<200x128xf32>
    %get3A_825 = arith.constant 6 : index
    %get3A_826 = arith.constant 0 : index
    %get3A_827 = arith.constant 0 : index
    %get3A_828 = vector.load %arg7[%get3A_825, %get3A_826, %get3A_827] : memref<8x200x1xf32, #tpu.memory_space<vmem>>, vector<1x200x1xf32>
    %get3A_829 = vector.shape_cast %get3A_828 : vector<1x200x1xf32> to vector<200x1xf32>
    %get3A_830 = arith.constant 6 : index
    %get3A_831 = arith.constant 0 : index
    %get3A_832 = arith.constant 0 : index
    %get3A_833 = vector.load %arg8[%get3A_830, %get3A_831, %get3A_832] : memref<8x1x200xf32, #tpu.memory_space<vmem>>, vector<1x1x200xf32>
    %get3A_834 = vector.shape_cast %get3A_833 : vector<1x1x200xf32> to vector<1x200xf32>
    %reduce_max3A_835 = arith.constant dense<0xFF800000> : vector<200xf32>
    %reduce_max3A_836 = vector.multi_reduction <maximumf>, %get3A_809, %reduce_max3A_835 [1] : vector<200x1000xf32> to vector<200xf32>
    %broadcast_in_dim3A_837 = vector.shape_cast %reduce_max3A_836 : vector<200xf32> to vector<200x1xf32>
    %eq3A_838 = vector.broadcast %broadcast_in_dim3A_837 : vector<200x1xf32> to vector<200x1000xf32>
    %eq3A_839 = arith.cmpf oeq, %get3A_809, %eq3A_838 : vector<200x1000xf32>
    %jit3A_840 = arith.constant 2.048000e+03 : f32
    %broadcast_in_dim3A_841 = vector.broadcast %jit3A_840 : f32 to vector<200x1000xf32>
    %select_n3A_842 = arith.select %eq3A_839, %convert_element_type3A, %broadcast_in_dim3A_841 : vector<200x1000xi1>, vector<200x1000xf32>
    %reduce_min3A_843 = arith.constant dense<0x7F800000> : vector<200xf32>
    %reduce_min3A_844 = vector.multi_reduction <minimumf>, %select_n3A_842, %reduce_min3A_843 [1] : vector<200x1000xf32> to vector<200xf32>
    %broadcast_in_dim3A_845 = vector.shape_cast %reduce_min3A_844 : vector<200xf32> to vector<200x1xf32>
    %convert_element_type3A_846 = arith.fptosi %broadcast_in_dim3A_845 : vector<200x1xf32> to vector<200x1xi32>
    %ne3A_847 = vector.broadcast %get3A_0 : i32 to vector<200x1xi32>
    %ne3A_848 = arith.cmpi ne, %get3A_814, %ne3A_847 : vector<200x1xi32>
    %eq3A_849 = arith.cmpi eq, %get3A_814, %convert_element_type3A_846 : vector<200x1xi32>
    %and3A_850 = arith.andi %eq3A_849, %ne3A_848 : vector<200x1xi1>
    %convert_element_type3A_851 = arith.extui %and3A_850 : vector<200x1xi1> to vector<200x1xi32>
    %reduce_sum3A_852 = vector.shape_cast %convert_element_type3A_851 : vector<200x1xi32> to vector<1x200x1xi32>
    %reduce_sum3A_853 = arith.constant dense<0> : vector<1xi32>
    %reduce_sum3A_854 = vector.multi_reduction <add>, %reduce_sum3A_852, %reduce_sum3A_853 [1, 2] : vector<1x200x1xi32> to vector<1xi32>
    %reduce_sum3A_855 = vector.shape_cast %reduce_sum3A_854 : vector<1xi32> to vector<1x1x1xi32>
    %reduce_sum3A_856 = vector.extract %reduce_sum3A_855[0, 0, 0] : i32 from vector<1x1x1xi32>
    %convert_element_type3A_857 = arith.sitofp %get3A_804 : i32 to f32
    %convert_element_type3A_858 = arith.sitofp %reduce_sum3A_856 : i32 to f32
    %sub3A_859 = arith.subf %convert_element_type3A_857, %convert_element_type3A_858 : f32
    %mul3A_860 = arith.constant 2.000000e-01 : f32
    %mul3A_861 = arith.mulf %sub3A_859, %mul3A_860 : f32
    %convert_element_type3A_862 = arith.fptosi %mul3A_861 : f32 to i32
    %max3A_863 = arith.constant 0 : i32
    %max3A_864 = arith.maxsi %convert_element_type3A_862, %max3A_863 : i32
    %lt3A_865 = vector.broadcast %get3A_804 : i32 to vector<200x1xi32>
    %lt3A_866 = arith.cmpi slt, %iota3A_1, %lt3A_865 : vector<200x1xi32>
    %convert_element_type3A_867 = arith.extui %lt3A_866 : vector<200x1xi1> to vector<200x1xi32>
    %convert_element_type3A_868 = arith.sitofp %convert_element_type3A_867 : vector<200x1xi32> to vector<200x1xf32>
    %gt3A_869 = vector.broadcast %get3A_834 : vector<1x200xf32> to vector<200x200xf32>
    %gt3A_870 = vector.broadcast %get3A_829 : vector<200x1xf32> to vector<200x200xf32>
    %gt3A_871 = arith.cmpf ogt, %gt3A_869, %gt3A_870 : vector<200x200xf32>
    %convert_element_type3A_872 = arith.extui %gt3A_871 : vector<200x200xi1> to vector<200x200xi32>
    %convert_element_type3A_873 = arith.sitofp %convert_element_type3A_872 : vector<200x200xi32> to vector<200x200xf32>
    %dot_general3A_874 = arith.constant dense<0.000000e+00> : vector<200x1xf32>
    %dot_general3A_875 = tpu.matmul %convert_element_type3A_873, %convert_element_type3A_868, %dot_general3A_874 {dimension_numbers = #tpu.dot_dimension_numbers<[1], [0], [0], [1], [0, 0, 1, 1], [], []>, transpose_lhs_hint = false} : vector<200x200xf32>, vector<200x1xf32>, vector<200x1xf32> -> vector<200x1xf32>
    %convert_element_type3A_876 = arith.sitofp %max3A_864 : i32 to f32
    %lt3A_877 = vector.broadcast %convert_element_type3A_876 : f32 to vector<200x1xf32>
    %lt3A_878 = arith.cmpf olt, %dot_general3A_875, %lt3A_877 : vector<200x1xf32>
    %and3A_879 = arith.andi %lt3A_878, %lt3A_866 : vector<200x1xi1>
    %and3A_880 = arith.andi %and3A_879, %ne3A_848 : vector<200x1xi1>
    %mul3A_881 = vector.broadcast %convert_element_type3A_868 : vector<200x1xf32> to vector<200x128xf32>
    %mul3A_882 = arith.mulf %get3A_824, %mul3A_881 : vector<200x128xf32>
    %broadcast_in_dim3A_883 = vector.shape_cast %and3A_880 : vector<200x1xi1> to vector<200x1xi1>
    %broadcast_in_dim3A_884 = vector.broadcast %broadcast_in_dim3A_883 : vector<200x1xi1> to vector<200x128xi1>
    %select_n3A_885 = arith.select %broadcast_in_dim3A_884, %get3A_819, %mul3A_882 : vector<200x128xi1>, vector<200x128xf32>
    %swap3A_886 = arith.constant 6 : index
    %swap3A_887 = arith.constant 0 : index
    %swap3A_888 = arith.constant 0 : index
    %swap3A_889 = vector.load %arg9[%swap3A_886, %swap3A_887, %swap3A_888] : memref<8x200x128xf32, #tpu.memory_space<vmem>>, vector<1x200x128xf32>
    %swap3A_890 = vector.shape_cast %swap3A_889 : vector<1x200x128xf32> to vector<200x128xf32>
    %swap3A_891 = vector.shape_cast %select_n3A_885 : vector<200x128xf32> to vector<1x200x128xf32>
    tpu.vector_store %arg9[%swap3A_886, %swap3A_887, %swap3A_888], %swap3A_891 {strides = array<i32>} : memref<8x200x128xf32, #tpu.memory_space<vmem>>, vector<1x200x128xf32>,
    %mul3A_892 = vector.broadcast %convert_element_type3A_868 : vector<200x1xf32> to vector<200x128xf32>
    %mul3A_893 = arith.mulf %get3A_824, %mul3A_892 : vector<200x128xf32>
    %swap3A_894 = arith.constant 6 : index
    %swap3A_895 = arith.constant 0 : index
    %swap3A_896 = arith.constant 0 : index
    %swap3A_897 = vector.load %arg10[%swap3A_894, %swap3A_895, %swap3A_896] : memref<8x200x128xf32, #tpu.memory_space<vmem>>, vector<1x200x128xf32>
    %swap3A_898 = vector.shape_cast %swap3A_897 : vector<1x200x128xf32> to vector<200x128xf32>
    %swap3A_899 = vector.shape_cast %mul3A_893 : vector<200x128xf32> to vector<1x200x128xf32>
    tpu.vector_store %arg10[%swap3A_894, %swap3A_895, %swap3A_896], %swap3A_899 {strides = array<i32>} : memref<8x200x128xf32, #tpu.memory_space<vmem>>, vector<1x200x128xf32>,
    %convert_element_type3A_900 = arith.extui %lt3A_866 : vector<200x1xi1> to vector<200x1xi32>
    %swap3A_901 = arith.constant 6 : index
    %swap3A_902 = arith.constant 0 : index
    %swap3A_903 = arith.constant 0 : index
    %swap3A_904 = vector.load %arg11[%swap3A_901, %swap3A_902, %swap3A_903] : memref<8x200x1xi32, #tpu.memory_space<vmem>>, vector<1x200x1xi32>
    %swap3A_905 = vector.shape_cast %swap3A_904 : vector<1x200x1xi32> to vector<200x1xi32>
    %swap3A_906 = vector.shape_cast %convert_element_type3A_900 : vector<200x1xi32> to vector<1x200x1xi32>
    tpu.vector_store %arg11[%swap3A_901, %swap3A_902, %swap3A_903], %swap3A_906 {strides = array<i32>} : memref<8x200x1xi32, #tpu.memory_space<vmem>>, vector<1x200x1xi32>,
    %convert_element_type3A_907 = arith.extui %ne3A_848 : vector<200x1xi1> to vector<200x1xi32>
    %reduce_sum3A_908 = vector.shape_cast %convert_element_type3A_907 : vector<200x1xi32> to vector<1x200x1xi32>
    %reduce_sum3A_909 = arith.constant dense<0> : vector<1xi32>
    %reduce_sum3A_910 = vector.multi_reduction <add>, %reduce_sum3A_908, %reduce_sum3A_909 [1, 2] : vector<1x200x1xi32> to vector<1xi32>
    %reduce_sum3A_911 = vector.shape_cast %reduce_sum3A_910 : vector<1xi32> to vector<1x1x1xi32>
    %reduce_sum3A_912 = vector.extract %reduce_sum3A_911[0, 0, 0] : i32 from vector<1x1x1xi32>
    %get3A_913 = arith.constant 0 : index
    %get3A_914 = arith.constant 0 : index
    %get3A_915 = memref.load %arg12[%get3A_913, %get3A_914] : memref<1x1xi32, #tpu.memory_space<smem>>
    %add3A_916 = arith.addi %get3A_915, %reduce_sum3A_912 : i32
    %swap3A_917 = arith.constant 0 : index
    %swap3A_918 = arith.constant 0 : index
    %swap3A_919 = memref.load %arg12[%swap3A_917, %swap3A_918] : memref<1x1xi32, #tpu.memory_space<smem>>
    memref.store %add3A_916, %arg12[%swap3A_917, %swap3A_918] : memref<1x1xi32, #tpu.memory_space<smem>>
    %get3A_920 = arith.constant 0 : index
    %get3A_921 = arith.constant 0 : index
    %get3A_922 = memref.load %arg13[%get3A_920, %get3A_921] : memref<1x1xi32, #tpu.memory_space<smem>>
    %add3A_923 = arith.addi %get3A_922, %reduce_sum3A_856 : i32
    %swap3A_924 = arith.constant 0 : index
    %swap3A_925 = arith.constant 0 : index
    %swap3A_926 = memref.load %arg13[%swap3A_924, %swap3A_925] : memref<1x1xi32, #tpu.memory_space<smem>>
    memref.store %add3A_923, %arg13[%swap3A_924, %swap3A_925] : memref<1x1xi32, #tpu.memory_space<smem>>
    %get3A_927 = arith.constant 0 : index
    %get3A_928 = arith.constant 0 : index
    %get3A_929 = memref.load %arg14[%get3A_927, %get3A_928] : memref<1x1xi32, #tpu.memory_space<smem>>
    %add3A_930 = arith.addi %get3A_929, %max3A_864 : i32
    %swap3A_931 = arith.constant 0 : index
    %swap3A_932 = arith.constant 0 : index
    %swap3A_933 = memref.load %arg14[%swap3A_931, %swap3A_932] : memref<1x1xi32, #tpu.memory_space<smem>>
    memref.store %add3A_930, %arg14[%swap3A_931, %swap3A_932] : memref<1x1xi32, #tpu.memory_space<smem>>
    %mul3A_934 = arith.constant 8 : i32
    %mul3A_935 = arith.muli %arg0, %mul3A_934 : i32
    %add3A_936 = arith.constant 7 : i32
    %add3A_937 = arith.addi %mul3A_935, %add3A_936 : i32
    %get3A_938 = arith.index_cast %add3A_937 : i32 to index
    %get3A_939 = memref.load %arg1[%get3A_938] : memref<64xi32, #tpu.memory_space<smem>>
    %get3A_940 = arith.constant 7 : index
    %get3A_941 = arith.constant 0 : index
    %get3A_942 = arith.constant 0 : index
    %get3A_943 = vector.load %arg3[%get3A_940, %get3A_941, %get3A_942] : memref<8x200x1000xf32, #tpu.memory_space<vmem>>, vector<1x200x1000xf32>
    %get3A_944 = vector.shape_cast %get3A_943 : vector<1x200x1000xf32> to vector<200x1000xf32>
    %get3A_945 = arith.constant 7 : index
    %get3A_946 = arith.constant 0 : index
    %get3A_947 = arith.constant 0 : index
    %get3A_948 = vector.load %arg4[%get3A_945, %get3A_946, %get3A_947] : memref<8x200x1xi32, #tpu.memory_space<vmem>>, vector<1x200x1xi32>
    %get3A_949 = vector.shape_cast %get3A_948 : vector<1x200x1xi32> to vector<200x1xi32>
    %get3A_950 = arith.constant 7 : index
    %get3A_951 = arith.constant 0 : index
    %get3A_952 = arith.constant 0 : index
    %get3A_953 = vector.load %arg5[%get3A_950, %get3A_951, %get3A_952] : memref<8x200x128xf32, #tpu.memory_space<vmem>>, vector<1x200x128xf32>
    %get3A_954 = vector.shape_cast %get3A_953 : vector<1x200x128xf32> to vector<200x128xf32>
    %get3A_955 = arith.constant 7 : index
    %get3A_956 = arith.constant 0 : index
    %get3A_957 = arith.constant 0 : index
    %get3A_958 = vector.load %arg6[%get3A_955, %get3A_956, %get3A_957] : memref<8x200x128xf32, #tpu.memory_space<vmem>>, vector<1x200x128xf32>
    %get3A_959 = vector.shape_cast %get3A_958 : vector<1x200x128xf32> to vector<200x128xf32>
    %get3A_960 = arith.constant 7 : index
    %get3A_961 = arith.constant 0 : index
    %get3A_962 = arith.constant 0 : index
    %get3A_963 = vector.load %arg7[%get3A_960, %get3A_961, %get3A_962] : memref<8x200x1xf32, #tpu.memory_space<vmem>>, vector<1x200x1xf32>
    %get3A_964 = vector.shape_cast %get3A_963 : vector<1x200x1xf32> to vector<200x1xf32>
    %get3A_965 = arith.constant 7 : index
    %get3A_966 = arith.constant 0 : index
    %get3A_967 = arith.constant 0 : index
    %get3A_968 = vector.load %arg8[%get3A_965, %get3A_966, %get3A_967] : memref<8x1x200xf32, #tpu.memory_space<vmem>>, vector<1x1x200xf32>
    %get3A_969 = vector.shape_cast %get3A_968 : vector<1x1x200xf32> to vector<1x200xf32>
    %reduce_max3A_970 = arith.constant dense<0xFF800000> : vector<200xf32>
    %reduce_max3A_971 = vector.multi_reduction <maximumf>, %get3A_944, %reduce_max3A_970 [1] : vector<200x1000xf32> to vector<200xf32>
    %broadcast_in_dim3A_972 = vector.shape_cast %reduce_max3A_971 : vector<200xf32> to vector<200x1xf32>
    %eq3A_973 = vector.broadcast %broadcast_in_dim3A_972 : vector<200x1xf32> to vector<200x1000xf32>
    %eq3A_974 = arith.cmpf oeq, %get3A_944, %eq3A_973 : vector<200x1000xf32>
    %jit3A_975 = arith.constant 2.048000e+03 : f32
    %broadcast_in_dim3A_976 = vector.broadcast %jit3A_975 : f32 to vector<200x1000xf32>
    %select_n3A_977 = arith.select %eq3A_974, %convert_element_type3A, %broadcast_in_dim3A_976 : vector<200x1000xi1>, vector<200x1000xf32>
    %reduce_min3A_978 = arith.constant dense<0x7F800000> : vector<200xf32>
    %reduce_min3A_979 = vector.multi_reduction <minimumf>, %select_n3A_977, %reduce_min3A_978 [1] : vector<200x1000xf32> to vector<200xf32>
    %broadcast_in_dim3A_980 = vector.shape_cast %reduce_min3A_979 : vector<200xf32> to vector<200x1xf32>
    %convert_element_type3A_981 = arith.fptosi %broadcast_in_dim3A_980 : vector<200x1xf32> to vector<200x1xi32>
    %ne3A_982 = vector.broadcast %get3A_0 : i32 to vector<200x1xi32>
    %ne3A_983 = arith.cmpi ne, %get3A_949, %ne3A_982 : vector<200x1xi32>
    %eq3A_984 = arith.cmpi eq, %get3A_949, %convert_element_type3A_981 : vector<200x1xi32>
    %and3A_985 = arith.andi %eq3A_984, %ne3A_983 : vector<200x1xi1>
    %convert_element_type3A_986 = arith.extui %and3A_985 : vector<200x1xi1> to vector<200x1xi32>
    %reduce_sum3A_987 = vector.shape_cast %convert_element_type3A_986 : vector<200x1xi32> to vector<1x200x1xi32>
    %reduce_sum3A_988 = arith.constant dense<0> : vector<1xi32>
    %reduce_sum3A_989 = vector.multi_reduction <add>, %reduce_sum3A_987, %reduce_sum3A_988 [1, 2] : vector<1x200x1xi32> to vector<1xi32>
    %reduce_sum3A_990 = vector.shape_cast %reduce_sum3A_989 : vector<1xi32> to vector<1x1x1xi32>
    %reduce_sum3A_991 = vector.extract %reduce_sum3A_990[0, 0, 0] : i32 from vector<1x1x1xi32>
    %convert_element_type3A_992 = arith.sitofp %get3A_939 : i32 to f32
    %convert_element_type3A_993 = arith.sitofp %reduce_sum3A_991 : i32 to f32
    %sub3A_994 = arith.subf %convert_element_type3A_992, %convert_element_type3A_993 : f32
    %mul3A_995 = arith.constant 2.000000e-01 : f32
    %mul3A_996 = arith.mulf %sub3A_994, %mul3A_995 : f32
    %convert_element_type3A_997 = arith.fptosi %mul3A_996 : f32 to i32
    %max3A_998 = arith.constant 0 : i32
    %max3A_999 = arith.maxsi %convert_element_type3A_997, %max3A_998 : i32
    %lt3A_1000 = vector.broadcast %get3A_939 : i32 to vector<200x1xi32>
    %lt3A_1001 = arith.cmpi slt, %iota3A_1, %lt3A_1000 : vector<200x1xi32>
    %convert_element_type3A_1002 = arith.extui %lt3A_1001 : vector<200x1xi1> to vector<200x1xi32>
    %convert_element_type3A_1003 = arith.sitofp %convert_element_type3A_1002 : vector<200x1xi32> to vector<200x1xf32>
    %gt3A_1004 = vector.broadcast %get3A_969 : vector<1x200xf32> to vector<200x200xf32>
    %gt3A_1005 = vector.broadcast %get3A_964 : vector<200x1xf32> to vector<200x200xf32>
    %gt3A_1006 = arith.cmpf ogt, %gt3A_1004, %gt3A_1005 : vector<200x200xf32>
    %convert_element_type3A_1007 = arith.extui %gt3A_1006 : vector<200x200xi1> to vector<200x200xi32>
    %convert_element_type3A_1008 = arith.sitofp %convert_element_type3A_1007 : vector<200x200xi32> to vector<200x200xf32>
    %dot_general3A_1009 = arith.constant dense<0.000000e+00> : vector<200x1xf32>
    %dot_general3A_1010 = tpu.matmul %convert_element_type3A_1008, %convert_element_type3A_1003, %dot_general3A_1009 {dimension_numbers = #tpu.dot_dimension_numbers<[1], [0], [0], [1], [0, 0, 1, 1], [], []>, transpose_lhs_hint = false} : vector<200x200xf32>, vector<200x1xf32>, vector<200x1xf32> -> vector<200x1xf32>
    %convert_element_type3A_1011 = arith.sitofp %max3A_999 : i32 to f32
    %lt3A_1012 = vector.broadcast %convert_element_type3A_1011 : f32 to vector<200x1xf32>
    %lt3A_1013 = arith.cmpf olt, %dot_general3A_1010, %lt3A_1012 : vector<200x1xf32>
    %and3A_1014 = arith.andi %lt3A_1013, %lt3A_1001 : vector<200x1xi1>
    %and3A_1015 = arith.andi %and3A_1014, %ne3A_983 : vector<200x1xi1>
    %mul3A_1016 = vector.broadcast %convert_element_type3A_1003 : vector<200x1xf32> to vector<200x128xf32>
    %mul3A_1017 = arith.mulf %get3A_959, %mul3A_1016 : vector<200x128xf32>
    %broadcast_in_dim3A_1018 = vector.shape_cast %and3A_1015 : vector<200x1xi1> to vector<200x1xi1>
    %broadcast_in_dim3A_1019 = vector.broadcast %broadcast_in_dim3A_1018 : vector<200x1xi1> to vector<200x128xi1>
    %select_n3A_1020 = arith.select %broadcast_in_dim3A_1019, %get3A_954, %mul3A_1017 : vector<200x128xi1>, vector<200x128xf32>
    %swap3A_1021 = arith.constant 7 : index
    %swap3A_1022 = arith.constant 0 : index
    %swap3A_1023 = arith.constant 0 : index
    %swap3A_1024 = vector.load %arg9[%swap3A_1021, %swap3A_1022, %swap3A_1023] : memref<8x200x128xf32, #tpu.memory_space<vmem>>, vector<1x200x128xf32>
    %swap3A_1025 = vector.shape_cast %swap3A_1024 : vector<1x200x128xf32> to vector<200x128xf32>
    %swap3A_1026 = vector.shape_cast %select_n3A_1020 : vector<200x128xf32> to vector<1x200x128xf32>
    tpu.vector_store %arg9[%swap3A_1021, %swap3A_1022, %swap3A_1023], %swap3A_1026 {strides = array<i32>} : memref<8x200x128xf32, #tpu.memory_space<vmem>>, vector<1x200x128xf32>,
    %mul3A_1027 = vector.broadcast %convert_element_type3A_1003 : vector<200x1xf32> to vector<200x128xf32>
    %mul3A_1028 = arith.mulf %get3A_959, %mul3A_1027 : vector<200x128xf32>
    %swap3A_1029 = arith.constant 7 : index
    %swap3A_1030 = arith.constant 0 : index
    %swap3A_1031 = arith.constant 0 : index
    %swap3A_1032 = vector.load %arg10[%swap3A_1029, %swap3A_1030, %swap3A_1031] : memref<8x200x128xf32, #tpu.memory_space<vmem>>, vector<1x200x128xf32>
    %swap3A_1033 = vector.shape_cast %swap3A_1032 : vector<1x200x128xf32> to vector<200x128xf32>
    %swap3A_1034 = vector.shape_cast %mul3A_1028 : vector<200x128xf32> to vector<1x200x128xf32>
    tpu.vector_store %arg10[%swap3A_1029, %swap3A_1030, %swap3A_1031], %swap3A_1034 {strides = array<i32>} : memref<8x200x128xf32, #tpu.memory_space<vmem>>, vector<1x200x128xf32>,
    %convert_element_type3A_1035 = arith.extui %lt3A_1001 : vector<200x1xi1> to vector<200x1xi32>
    %swap3A_1036 = arith.constant 7 : index
    %swap3A_1037 = arith.constant 0 : index
    %swap3A_1038 = arith.constant 0 : index
    %swap3A_1039 = vector.load %arg11[%swap3A_1036, %swap3A_1037, %swap3A_1038] : memref<8x200x1xi32, #tpu.memory_space<vmem>>, vector<1x200x1xi32>
    %swap3A_1040 = vector.shape_cast %swap3A_1039 : vector<1x200x1xi32> to vector<200x1xi32>
    %swap3A_1041 = vector.shape_cast %convert_element_type3A_1035 : vector<200x1xi32> to vector<1x200x1xi32>
    tpu.vector_store %arg11[%swap3A_1036, %swap3A_1037, %swap3A_1038], %swap3A_1041 {strides = array<i32>} : memref<8x200x1xi32, #tpu.memory_space<vmem>>, vector<1x200x1xi32>,
    %convert_element_type3A_1042 = arith.extui %ne3A_983 : vector<200x1xi1> to vector<200x1xi32>
    %reduce_sum3A_1043 = vector.shape_cast %convert_element_type3A_1042 : vector<200x1xi32> to vector<1x200x1xi32>
    %reduce_sum3A_1044 = arith.constant dense<0> : vector<1xi32>
    %reduce_sum3A_1045 = vector.multi_reduction <add>, %reduce_sum3A_1043, %reduce_sum3A_1044 [1, 2] : vector<1x200x1xi32> to vector<1xi32>
    %reduce_sum3A_1046 = vector.shape_cast %reduce_sum3A_1045 : vector<1xi32> to vector<1x1x1xi32>
    %reduce_sum3A_1047 = vector.extract %reduce_sum3A_1046[0, 0, 0] : i32 from vector<1x1x1xi32>
    %get3A_1048 = arith.constant 0 : index
    %get3A_1049 = arith.constant 0 : index
    %get3A_1050 = memref.load %arg12[%get3A_1048, %get3A_1049] : memref<1x1xi32, #tpu.memory_space<smem>>
    %add3A_1051 = arith.addi %get3A_1050, %reduce_sum3A_1047 : i32
    %swap3A_1052 = arith.constant 0 : index
    %swap3A_1053 = arith.constant 0 : index
    %swap3A_1054 = memref.load %arg12[%swap3A_1052, %swap3A_1053] : memref<1x1xi32, #tpu.memory_space<smem>>
    memref.store %add3A_1051, %arg12[%swap3A_1052, %swap3A_1053] : memref<1x1xi32, #tpu.memory_space<smem>>
    %get3A_1055 = arith.constant 0 : index
    %get3A_1056 = arith.constant 0 : index
    %get3A_1057 = memref.load %arg13[%get3A_1055, %get3A_1056] : memref<1x1xi32, #tpu.memory_space<smem>>
    %add3A_1058 = arith.addi %get3A_1057, %reduce_sum3A_991 : i32
    %swap3A_1059 = arith.constant 0 : index
    %swap3A_1060 = arith.constant 0 : index
    %swap3A_1061 = memref.load %arg13[%swap3A_1059, %swap3A_1060] : memref<1x1xi32, #tpu.memory_space<smem>>
    memref.store %add3A_1058, %arg13[%swap3A_1059, %swap3A_1060] : memref<1x1xi32, #tpu.memory_space<smem>>
    %get3A_1062 = arith.constant 0 : index
    %get3A_1063 = arith.constant 0 : index
    %get3A_1064 = memref.load %arg14[%get3A_1062, %get3A_1063] : memref<1x1xi32, #tpu.memory_space<smem>>
    %add3A_1065 = arith.addi %get3A_1064, %max3A_999 : i32
    %swap3A_1066 = arith.constant 0 : index
    %swap3A_1067 = arith.constant 0 : index
    %swap3A_1068 = memref.load %arg14[%swap3A_1066, %swap3A_1067] : memref<1x1xi32, #tpu.memory_space<smem>>
    memref.store %add3A_1065, %arg14[%swap3A_1066, %swap3A_1067] : memref<1x1xi32, #tpu.memory_space<smem>>
    return
  }
  func.func @transform_0(%arg0: i32) -> i32 {
    %c0_i32 = arith.constant 0 : i32
    %c0_i32_0 = arith.constant 0 : i32
    return %c0_i32 : i32
  }
  func.func @transform_1(%arg0: i32) -> i32 {
    %c0_i32 = arith.constant 0 : i32
    %c0_i32_0 = arith.constant 0 : i32
    return %c0_i32 : i32
  }
  func.func @transform_2(%arg0: i32) -> (i32, i32, i32) {
    %c0_i32 = arith.constant 0 : i32
    %c0_i32_0 = arith.constant 0 : i32
    %c0_i32_1 = arith.constant 0 : i32
    return %arg0, %c0_i32, %c0_i32_0 : i32, i32, i32
  }
  func.func @transform_3(%arg0: i32) -> (i32, i32, i32) {
    %c0_i32 = arith.constant 0 : i32
    %c0_i32_0 = arith.constant 0 : i32
    %c0_i32_1 = arith.constant 0 : i32
    return %arg0, %c0_i32, %c0_i32_0 : i32, i32, i32
  }
  func.func @transform_4(%arg0: i32) -> (i32, i32, i32) {
    %c0_i32 = arith.constant 0 : i32
    %c0_i32_0 = arith.constant 0 : i32
    %c0_i32_1 = arith.constant 0 : i32
    return %arg0, %c0_i32, %c0_i32_0 : i32, i32, i32
  }
  func.func @transform_5(%arg0: i32) -> (i32, i32, i32) {
    %c0_i32 = arith.constant 0 : i32
    %c0_i32_0 = arith.constant 0 : i32
    %c0_i32_1 = arith.constant 0 : i32
    return %arg0, %c0_i32, %c0_i32_0 : i32, i32, i32
  }
  func.func @transform_6(%arg0: i32) -> (i32, i32, i32) {
    %c0_i32 = arith.constant 0 : i32
    %c0_i32_0 = arith.constant 0 : i32
    %c0_i32_1 = arith.constant 0 : i32
    return %arg0, %c0_i32, %c0_i32_0 : i32, i32, i32
  }
  func.func @transform_7(%arg0: i32) -> (i32, i32, i32) {
    %c0_i32 = arith.constant 0 : i32
    %c0_i32_0 = arith.constant 0 : i32
    %c0_i32_1 = arith.constant 0 : i32
    return %arg0, %c0_i32, %c0_i32_0 : i32, i32, i32
  }
  func.func @transform_8(%arg0: i32) -> (i32, i32, i32) {
    %c0_i32 = arith.constant 0 : i32
    %c0_i32_0 = arith.constant 0 : i32
    %c0_i32_1 = arith.constant 0 : i32
    return %arg0, %c0_i32, %c0_i32_0 : i32, i32, i32
  }
  func.func @transform_9(%arg0: i32) -> (i32, i32, i32) {
    %c0_i32 = arith.constant 0 : i32
    %c0_i32_0 = arith.constant 0 : i32
    %c0_i32_1 = arith.constant 0 : i32
    return %arg0, %c0_i32, %c0_i32_0 : i32, i32, i32
  }
  func.func @transform_10(%arg0: i32) -> (i32, i32, i32) {
    %c0_i32 = arith.constant 0 : i32
    %c0_i32_0 = arith.constant 0 : i32
    %c0_i32_1 = arith.constant 0 : i32
    return %arg0, %c0_i32, %c0_i32_0 : i32, i32, i32
  }
  func.func @transform_11(%arg0: i32) -> (i32, i32) {
    %c0_i32 = arith.constant 0 : i32
    %c0_i32_0 = arith.constant 0 : i32
    %c0_i32_1 = arith.constant 0 : i32
    return %c0_i32, %c0_i32_0 : i32, i32
  }
  func.func @transform_12(%arg0: i32) -> (i32, i32) {
    %c0_i32 = arith.constant 0 : i32
    %c0_i32_0 = arith.constant 0 : i32
    %c0_i32_1 = arith.constant 0 : i32
    return %c0_i32, %c0_i32_0 : i32, i32
  }
  func.func @transform_13(%arg0: i32) -> (i32, i32) {
    %c0_i32 = arith.constant 0 : i32
    %c0_i32_0 = arith.constant 0 : i32
    %c0_i32_1 = arith.constant 0 : i32
    return %c0_i32, %c0_i32_0 : i32, i32
  }
}

</mosaic_0001>

<sc_bundles>
// kernel: kernel.4.cloned.1.call-start
scs
__scs_entry_jumppad:
0x0: {  	(pc) =	sbr.rel $0x88, $3  }
0x1: {  	(tag) =	ssettag $0x0;
	lr =	simm.s32 $0x1  }
0x2: {  	[smem:$0x3F9B] =	sst lr;
	_ =	strace $0xD0000000  }
0x3: {  	_ = 	snop  }
0x4: {  	_ = 	snop  }
0x5: {  	_ = 	snop  }
0x6: {  	_ = 	snop  }
0x7: {  	_ = 	snop  }
__scs_overlays_trampoline_lowered:
0x8: {  	[smem:$0x3FAA] =	sst s0  }
0x9: {  	[smem:$0x3FAB] =	sst s1  }
0xa: {  	[smem:$0x3FAC] =	sst s2  }
0xb: {  	[smem:$0x3FAD] =	sst s3  }
0xc: {  	[smem:$0x3FAE] =	sst s4  }
0xd: {  	[smem:$0x3FAF] =	sst s5  }
0xe: {  	[smem:$0x3FB0] =	sst s6  }
0xf: {  	[smem:$0x3FB1] =	sst s7  }
0x10: {  	[smem:$0x3FB2] =	sst s8  }
0x11: {  	[smem:$0x3FB3] =	sst s9;
	s0 =	simm.s32 @!p0 $0x0  }
0x12: {  	s1 =	sld [smem:$0x3F99];
	s0 =	simm.s32 @p0 $0x1  }
0x13: {  	[smem:$0x3FB4] =	sst s0;
	s0 =	simm.s32 @!p1 $0x0  }
0x14: {  	s2 =	sld [smem:$0x3F98];
	s0 =	simm.s32 @p1 $0x1  }
0x15: {  	[smem:$0x3FB5] =	sst s0;
	s0 =	simm.s32 @!p2 $0x0  }
0x16: {  	s3 =	sld [smem:$0x3FDB];
	s0 =	simm.s32 @p2 $0x1  }
0x17: {  	s4 =	simm.s32 $0x1BF5;
	[smem:$0x3FB7] =	sst s0  }
0x18: {  	s0 =	sld [smem:$0x3F9A];
	_ =	swait.ge [sflag:s4], $0x0  }
0x19: {  	s7 =	sld [smem:$0x3F9B]  }
0x1a: {  	s8 =	sadd.s32 $0xFFFFE003, lr  }
0x1b: {  	s9 =	sadd.s32 $0xFFFFFEF7, lr;
	s5 =	simm.s32 $0xFFFFFFFF;
	p2 =	slt.u32 s8, $0xFFFFF086  }
0x1c: {  	p1 =	slt.u32 s9, $0xF7A;
	s5 =	simm.s32 @!p2 $0x0  }
0x1d: {  	s5 =	simm.s32 @p1 $0x1;
	p0 =	seq.s32 s7, s2  }
0x1e: {  	s7 =	smul.u32 @!p0 $0xF7A, s2;
	p2 =	seq.s32 @!p0 s5, $0x0  }
0x1f: {  	s9 =	smul.u32 $0xF7A, s1;
	s8 =	simm.s32 @!p0 $0x1BF5;
	p2 =	por !p2, p0  }
0x20: {  	[sflag:s8] =	ssyncset.s32 @!p0 $0xFFFFF086;
	s6 =	sadd.s32 @!p0 s3, s7;
	s7 =	simm.s32 @!p0 $0x108  }
0x21: {  	s3 =	sadd.s32 s3, s9;
	s6 =	sadd.s32 @!p0 $0x88, s6;
	s7 =	simm.s32 @p2 $0x1082  }
0x22: {  	[simem:s7], [sflag:s8] =	dma.local @!p0 [hbm:s6], $0xF7A  }
0x23: {  	s9 =	sor.u32 $0xD0000000, s2;
	s6 =	simm.s32 $0x108;
	_ =	swait.ge @!p0 [sflag:s8], $0x0  }
0x24: {  	s3 =	sadd.s32 $0x88, s3;
	s6 =	simm.s32 @!p1 $0x1082;
	[sflag:s4] =	ssyncset.s32 $0xFFFFF086  }
0x25: {  	[simem:s6], [sflag:s4] =	dma.local [hbm:s3], $0xF7A  }
0x26: {  	[smem:$0x3F9B] =	sst s1;
	(tag) =	ssettag s2;
	_ =	strace s9  }
0x27: {  	s1 =	sld [smem:$0x3FAB]  }
0x28: {  	s2 =	sld [smem:$0x3FAC]  }
0x29: {  	s4 =	sld [smem:$0x3FAE]  }
0x2a: {  	p0 =	seq.s32 s5, $0x0;
	s5 =	sld [smem:$0x3FAF]  }
0x2b: {  	s6 =	sld [smem:$0x3FB0]  }
0x2c: {  	s7 =	sld [smem:$0x3FB1]  }
0x2d: {  	s3 =	simm.s32 $0x108;
	s8 =	sld [smem:$0x3FB2]  }
0x2e: {  	s3 =	simm.s32 @!p0 $0x1082;
	s9 =	sld [smem:$0x3FB3]  }
0x2f: {  	lr =	sadd.s32 s0, s3;
	s0 =	sld [smem:$0x3FAA]  }
0x30: {  	s3 =	sld [smem:$0x3FAD]  }
0x31: {  	[smem:$0x3FB6] =	sst s10  }
0x32: {  	s10 =	sld [smem:$0x3FB4];
	_ =	sdelay $0x3  }
0x33: {  	p0 =	seq.s32 s10, $0x1;
	s10 =	sld [smem:$0x3FB6];
	_ =	sdelay $0x3  }
0x34: {  	[smem:$0x3FB6] =	sst s10  }
0x35: {  	s10 =	sld [smem:$0x3FB5];
	_ =	sdelay $0x3  }
0x36: {  	p1 =	seq.s32 s10, $0x1;
	s10 =	sld [smem:$0x3FB6];
	_ =	sdelay $0x3  }
0x37: {  	[smem:$0x3FB6] =	sst s10  }
0x38: {  	s10 =	sld [smem:$0x3FB7]  }
0x39: {  	_ = 	snop;
	(pc) =	sbr.ind lr, $3  }
0x3a: {  	_ = 	snop  }
0x3b: {  	_ = 	snop  }
0x3c: {  	p2 =	seq.s32 s10, $0x1;
	s10 =	sld [smem:$0x3FB6]  }
0x3d: {  	_ =	shalt  }
0x3e: {  	_ =	shalt  }
0x3f: {  	_ =	shalt  }
0x40: {  	_ =	shalt  }
0x41: {  	_ =	shalt  }
0x42: {  	_ =	shalt  }
0x43: {  	_ =	shalt  }
0x44: {  	_ =	shalt  }
0x45: {  	_ =	shalt  }
0x46: {  	_ =	shalt  }
0x47: {  	_ =	shalt  }
0x48: {  	_ =	shalt  }
0x49: {  	_ =	shalt  }
0x4a: {  	_ =	shalt  }
0x4b: {  	_ =	shalt  }
0x4c: {  	_ =	shalt  }
0x4d: {  	_ =	shalt  }
0x4e: {  	_ =	shalt  }
0x4f: {  	_ =	shalt  }
0x50: {  	_ =	shalt  }
0x51: {  	_ =	shalt  }
0x52: {  	_ =	shalt  }
0x53: {  	_ =	shalt  }
0x54: {  	_ =	shalt  }
0x55: {  	_ =	shalt  }
0x56: {  	_ =	shalt  }
0x57: {  	_ =	shalt  }
0x58: {  	_ =	shalt  }
0x59: {  	_ =	shalt  }
0x5a: {  	_ =	shalt  }
0x5b: {  	_ =	shalt  }
0x5c: {  	_ =	shalt  }
0x5d: {  	_ =	shalt  }
0x5e: {  	_ =	shalt  }
0x5f: {  	_ =	shalt  }
0x60: {  	_ =	shalt  }
0x61: {  	_ =	shalt  }
0x62: {  	_ =	shalt  }
0x63: {  	_ =	shalt  }
0x64: {  	_ =	shalt  }
0x65: {  	_ =	shalt  }
0x66: {  	_ =	shalt  }
0x67: {  	_ =	shalt  }
0x68: {  	_ =	shalt  }
0x69: {  	_ =	shalt  }
0x6a: {  	_ =	shalt  }
0x6b: {  	_ =	shalt  }
0x6c: {  	_ =	shalt  }
0x6d: {  	_ =	shalt  }
0x6e: {  	_ =	shalt  }
0x6f: {  	_ =	shalt  }
0x70: {  	_ =	shalt  }
0x71: {  	_ =	shalt  }
0x72: {  	_ =	shalt  }
0x73: {  	_ =	shalt  }
0x74: {  	_ =	shalt  }
0x75: {  	_ =	shalt  }
0x76: {  	_ =	shalt  }
0x77: {  	_ =	shalt  }
0x78: {  	_ =	shalt  }
0x79: {  	_ =	shalt  }
0x7a: {  	_ =	shalt  }
0x7b: {  	_ =	shalt  }
0x7c: {  	_ =	shalt  }
0x7d: {  	_ =	shalt  }
0x7e: {  	_ =	shalt  }
0x7f: {  	_ =	shalt  }
0x80: {  	_ =	shalt  }
0x81: {  	_ =	shalt  }
0x82: {  	_ =	shalt  }
0x83: {  	_ =	shalt  }
0x84: {  	_ =	shalt  }
0x85: {  	_ =	shalt  }
0x86: {  	_ =	shalt  }
0x87: {  	_ =	shalt  }
.Lfunc_end0:
.L_simem_size_0:
called_computation_lowered:
.L_overlay_start_0:
0x88: {  	s2 =	sld [smem:$0x3FD9]  }
0x89: {  	s3 =	sld [smem:$0x3FFE];
	_ =	sdelay $0x1  }
0x8a: {  	s1 =	srdreg.scid  }
0x8b: {  	s0 =	sand.u32 $0x1, s1  }
0x8c: {  	s15 =	sshll.u32 s0, $0xA;
	s2 =	sadd.s32 s3, s2  }
0x8d: {  	s2 =	sadd.s32 s2, s15  }
0x8e: {  	[smem:$0x3FC2] =	sst s2  }
0x8f: {  	_ = 	snop  }
0x90: {  	s2 =	sld [smem:$0x3FD0];
	_ =	sdelay $0x2  }
0x91: {  	s16 =	simm.s32 $0xA;
	s4 =	simm.s32 $0x10  }
0x92: {  	[smem:s4], [sflag:s16] =	dma.local [hbm:s2], $0x1  }
0x93: {  	_ =	swait.eq [sflag:s16], $0x1  }
0x94: {  	s17 =	sld [smem:$0x10];
	[sflag:s16] =	ssyncset.done $0x0  }
0x95: {  	s18 =	sld [smem:$0x11];
	[sflag:s16] =	ssyncadd.s32 $0xFFFFFFFF  }
0x96: {  	s19 =	sld [smem:$0x12];
	(tm) =	ssettm $0x1  }
0x97: {  	s5 =	sld [smem:$0x3FFB];
	_ =	sdelay $0x3  }
0x98: {  	_ =	strace s5  }
0x99: {  	s5 =	sld [smem:$0x3FFC];
	_ =	sdelay $0x3  }
0x9a: {  	_ =	strace s5  }
0x9b: {  	s5 =	sld [smem:$0x3FFD];
	_ =	sdelay $0x3  }
0x9c: {  	_ =	strace s5  }
0x9d: {  	_ =	strace $0x8FFFFFFF  }
0x9e: {  	s20 =	sld [smem:$0x3FDB];
	_ =	sdelay $0x1  }
0x9f: {  	s6 =	simm.s32 $_scs_section_size  }
0xa0: {  	s7 =	simm.s32 $_size__tile_overlayer_lowered;
	s8 =	simm.s32 $_tile_overlayer_lowered  }
0xa1: {  	s23 =	simm.s32 $0x1BFF;
	s22 =	sshll.u32 s8, $0x1;
	s5 =	sadd.s32 s6, s20  }
0xa2: {  	s9 =	simm.s32 $0x0;
	s21 =	sshll.u32 s7, $0x1;
	s7 =	sadd.s32 s22, s5  }
0xa3: {  	[timem:s9], [sflag:s23] =	dma.local [hbm:s7], s21  }
0xa4: {  	_ =	swait.ge [sflag:s23], s21  }
0xa5: {  	s6 =	ssub.s32 $0x0, s21;
	[sflag:s23] =	ssyncset.done $0x0  }
0xa6: {  	[sflag:s23] =	ssyncadd.s32 s6;
	_ =	sdelay $0x1  }
0xa7: {  	s24 =	simm.s32 $0x1B8B  }
0xa8: {  	_ =	swait.ge [sflag:s24], $0x1  }
0xa9: {  	[sflag:s24] =	ssyncset.done $0x0  }
0xaa: {  	s25 =	simm.s32 $0x1B8E;
	[sflag:s24] =	ssyncadd.s32 $0xFFFFFFFF  }
0xab: {  	s26 =	simm.s32 $execute0_lowered;
	[smem:$0x3FD2] =	sst s25  }
0xac: {  	s6 =	sshll.u32 s26, $0x1;
	_ =	strace $0x80000046;
	[dreg:$0x1] =	wrdreg $0xFFFFFFFF  }
0xad: {  	s28 =	simm.s32 $_size_execute0_lowered;
	s5 =	sadd.s32 s5, s6;
	[dreg:$0x0] =	wrdreg $0x0  }
0xae: {  	s6 =	sshll.u32 s28, $0x1;
	[dreg:$0x2] =	wrdreg s5  }
0xaf: {  	[dreg:$0x3] =	wrdreg s6  }
0xb0: {  	[dreg:$0x4] =	wrdreg $0xC0  }
0xb1: {  	_ =	task [dreg:s9], $0x5FFFF  }
0xb2: {  	[dreg:$0x1] =	wrdreg $0xFFFFFFFF  }
0xb3: {  	[dreg:$0x0] =	wrdreg $0x60  }
0xb4: {  	[dreg:$0x2] =	wrdreg s19  }
0xb5: {  	[dreg:$0x3] =	wrdreg s17  }
0xb6: {  	[dreg:$0x4] =	wrdreg s18  }
0xb7: {  	[dreg:$0x5] =	wrdreg $0xCA000  }
0xb8: {  	[dreg:$0x6] =	wrdreg $0x9  }
0xb9: {  	_ =	task.clear_ibuf [dreg:s9], $0x7FFFF;
	_ =	strace $0x90000046  }
0xba: {  	s29 =	simm.s32 $0x9;
	_ =	strace $0x80000048  }
0xbb: {  	_ =	swait.ge [sflag:s29], $0x1  }
0xbc: {  	[sflag:s29] =	ssyncadd.s32 $0xFFFFFFFF  }
0xbd: {  	_ =	strace $0x90000048  }
0xbe: {  	_ =	sfence  }
0xbf: {  	s30 =	sld [smem:$0x0];
	_ =	sdelay $0x2  }
0xc0: {  	s31 =	sshll.u32 s1, $0xD;
	s1 =	sshrl.u32 s1, $0x2  }
0xc1: {  	s3 =	sand.u32 $0x4000, s31;
	s1 =	sadd.s32 s1, s30  }
0xc2: {  	s0 =	sor.u32 s3, s0;
	s1 =	sshll.u32 s1, $0x11  }
0xc3: {  	s0 =	sor.u32 s1, s0  }
0xc4: {  	s0 =	sadd.s32 $0x8F2B, s0  }
0xc5: {  	[sflag:s0] =	ssyncadd.remote.s32 $0x1  }
0xc6: {  	_ =	sfence.sel $0xFFFF  }
0xc7: {  	[dreg:$0x0] =	wrdreg $0xFFFFFFFF;
	(pc) =	sbr.abs _section_cstart, $3  }
0xc8: {  	[dreg:$0x1] =	wrdreg $0xFFFFFFFF  }
0xc9: {  	_ =	task.clear_ibuf [dreg:s9], $0x2FFFF;
	_ =	strace $0x9FFFFFFF  }
0xca: {  	(tm) =	ssettm $0x7FFFFFFF  }
0xcb: {  	_ =	shalt  }
tec
execute0_lowered:
.L_overlay_start_1:
0x0: {  	(tag) =	ssettag $0x1  }
0x1: {  	s0 =	srdreg.scid;
	s6 =	stileid.u32  }
0x2: {  	s5 =	rddreg [dreg:$0x0];
	s7 =	sand.u32 $0x1, s0;
	s1 =	sshll.u32 s6, $0x1  }
0x3: {  	s3 =	rddreg [dreg:$0x1];
	s8 =	sor.u32 s7, s1;
	s7 =	ssub.s32 $0x2, s7  }
0x4: {  	s4 =	rddreg [dreg:$0x2];
	s10 =	sshrl.u32 s7, $0x1  }
0x5: {  	s2 =	rddreg [dreg:$0x3];
	s11 =	simm.s32 $0xD0;
	s7 =	ssub.s32 s7, s10  }
0x6: {  	s12 =	simm.s32 $0x6A00;
	s13 =	simm.s32 $0x58;
	s7 =	smax.u32 s7, $0x1  }
0x7: {  	s14 =	simm.s32 $0x138;
	s15 =	simm.s32 $0x9E00;
	s19 =	sadd.s32 $0xFFFFFFFF, s7  }
0x8: {  	p1 =	por $0x0, $0x0;
	s9 =	smul.u32 $0x32, s8;
	p2 =	sne.s32 s19, $0x0  }
.Ltmp0:
0x9: {  	s0 =	rddreg [dreg:$0x4];
	s1 =	simm.s32 $0x0;
	(pc) =	sbr.rel @!p2 .LBB2_3-.Ltmp0, $4  }
0xa: {  	p0 =	sne.s32 s6, $0x0;
	[smem:$0x7FF] =	sst s1;
	s8 =	smul.u32 $0x1900, s8  }
0xb: {  	s6 =	simm.s32 $0x200;
	s16 =	sshrl.u32 @!p0 s2, $0x3;
	_ =	strace $0x80000047  }
0xc: {  	s10 =	simm.s32 $0x3600;
	s9 =	sadd.s32 s3, s9;
	s3 =	sadd.s32 s4, s8  }
0xd: {  	s4 =	simm.s32 $0x2;
	s8 =	simm.s32 $0x68;
	s7 =	simm.s32 $0x1  }
0xe: {  	s17 =	simm.s32 @!p0 $0x1C02;
	s18 =	simm.s32 @!p0 $0x2  }
0xf: {  	[spmem:s16], [sflag:s17] =	dma.local @!p0 [hbm:s5], $0x3F00  }
0x10: {  	_ =	swait.ge @!p0 [sflag:s18], $0x3F00  }
0x11: {  	[sflag:s18] =	ssyncset.done @!p0 $0x0  }
0x12: {  	[sflag:s18] =	ssyncadd.s32 @!p0 $0xFFFFC100  }
0x13: {  	[tilespmem:s1], [sflag:$0x2] =	stream.linear.gather [hbm4b:s9+s1], $0x190, $0x38;
	[tilespmem:$0xE980] =	vst v63  }
0x14: {  	_ =	swait.ge [sflag:s4], $0x190  }
0x15: {  	[sflag:s4] =	ssyncset.done $0x0  }
0x16: {  	[sflag:s4] =	ssyncadd.s32 $0xFFFFFE70  }
0x17: {  	[bflag:$0x0] =	sbarrier.arrive $0xFFFF  }
0x18: {  	[tilespmem:s6], [sflag:$0x1] =	stream.indirect.gather [spmem:s2], $0x80, s1, s8, $0xb8;
	[tilespmem:$0xE980] =	vst v63  }
0x19: {  	_ = 	snop  }
0x1a: {  	[tilespmem:s10], [sflag:$0x1] =	stream.indirect.gather [spmem:s2], $0x80, s8, s8, $0xb8;
	[tilespmem:$0xE980] =	vst v63  }
0x1b: {  	_ = 	snop  }
0x1c: {  	[tilespmem:s12], [sflag:$0x1] =	stream.indirect.gather [spmem:s2], $0x80, s11, s8, $0xb8;
	[tilespmem:$0xE980] =	vst v63  }
0x1d: {  	_ = 	snop  }
0x1e: {  	[tilespmem:s15], [sflag:$0x1] =	stream.indirect.gather [spmem:s2], $0x80, s14, s13, $0xb8;
	[tilespmem:$0xE980] =	vst v63  }
0x1f: {  	_ =	swait.ge [sflag:s7], $0x3400  }
0x20: {  	[sflag:s7] =	ssyncset.done $0x0  }
0x21: {  	[sflag:s7] =	ssyncadd.s32 $0xFFFFCC00  }
0x22: {  	_ =	swait.ge [sflag:s7], $0x3400  }
0x23: {  	[sflag:s7] =	ssyncset.done $0x0  }
0x24: {  	[sflag:s7] =	ssyncadd.s32 $0xFFFFCC00  }
0x25: {  	_ =	swait.ge [sflag:s7], $0x3400  }
0x26: {  	[sflag:s7] =	ssyncset.done $0x0  }
0x27: {  	s19 =	sadd.s32 $0xFFFFFFFF, s19;
	[sflag:s7] =	ssyncadd.s32 $0xFFFFCC00  }
0x28: {  	p2 =	sne.s32 s19, $0x0;
	_ =	swait.ge [sflag:s7], $0x2C00  }
.Ltmp1:
0x29: {  	[sflag:s7] =	ssyncset.done $0x0;
	(pc) =	sbr.rel @!p2 .LBB2_3-.Ltmp1, $4  }
0x2a: {  	[sflag:s7] =	ssyncadd.s32 $0xFFFFD400  }
0x2b: {  	[hbm4b:s3+s1] =	stream.linear.scatter [tilespmem:s6], [sflag:$0x2], $0xC800, $0x38;
	[tilespmem:$0xE980] =	vst v63  }
0x2c: {  	_ =	swait.ge [sflag:s4], $0xC800  }
0x2d: {  	p1 =	por $0x1, $0x1;
	[sflag:s4] =	ssyncset.done $0x0  }
.LBB2_2:
0x2e: {  	[sflag:s4] =	ssyncadd.s32 $0xFFFF3800  }
0x2f: {  	[spmem:s16], [sflag:s17] =	dma.local @!p0 [hbm:s5], $0x3F00  }
0x30: {  	s19 =	sadd.s32 $0xFFFFFFFF, s19;
	_ =	swait.ge @!p0 [sflag:s18], $0x3F00  }
0x31: {  	p2 =	sne.s32 s19, $0x0;
	[sflag:s18] =	ssyncset.done @!p0 $0x0  }
0x32: {  	[sflag:s18] =	ssyncadd.s32 @!p0 $0xFFFFC100  }
0x33: {  	[tilespmem:s1], [sflag:$0x2] =	stream.linear.gather [hbm4b:s9+s1], $0x190, $0x38;
	[tilespmem:$0xE980] =	vst v63  }
0x34: {  	_ =	swait.ge [sflag:s4], $0x190  }
0x35: {  	[sflag:s4] =	ssyncset.done $0x0  }
0x36: {  	[sflag:s4] =	ssyncadd.s32 $0xFFFFFE70  }
0x37: {  	[bflag:$0x0] =	sbarrier.arrive $0xFFFF  }
0x38: {  	[tilespmem:s6], [sflag:$0x1] =	stream.indirect.gather [spmem:s2], $0x80, s1, s8, $0xb8;
	[tilespmem:$0xE980] =	vst v63  }
0x39: {  	_ = 	snop  }
0x3a: {  	[tilespmem:s10], [sflag:$0x1] =	stream.indirect.gather [spmem:s2], $0x80, s8, s8, $0xb8;
	[tilespmem:$0xE980] =	vst v63  }
0x3b: {  	_ = 	snop  }
0x3c: {  	[tilespmem:s12], [sflag:$0x1] =	stream.indirect.gather [spmem:s2], $0x80, s11, s8, $0xb8;
	[tilespmem:$0xE980] =	vst v63  }
0x3d: {  	_ = 	snop  }
0x3e: {  	[tilespmem:s15], [sflag:$0x1] =	stream.indirect.gather [spmem:s2], $0x80, s14, s13, $0xb8;
	[tilespmem:$0xE980] =	vst v63  }
0x3f: {  	_ =	swait.ge [sflag:s7], $0x3400  }
0x40: {  	[sflag:s7] =	ssyncset.done $0x0  }
0x41: {  	[sflag:s7] =	ssyncadd.s32 $0xFFFFCC00  }
0x42: {  	_ =	swait.ge [sflag:s7], $0x3400  }
0x43: {  	[sflag:s7] =	ssyncset.done $0x0  }
0x44: {  	[sflag:s7] =	ssyncadd.s32 $0xFFFFCC00  }
0x45: {  	_ =	swait.ge [sflag:s7], $0x3400  }
0x46: {  	[sflag:s7] =	ssyncset.done $0x0  }
0x47: {  	[sflag:s7] =	ssyncadd.s32 $0xFFFFCC00  }
0x48: {  	_ =	swait.ge [sflag:s7], $0x2C00  }
.Ltmp2:
0x49: {  	[sflag:s7] =	ssyncset.done $0x0;
	(pc) =	sbr.rel @p2 .LBB2_2-.Ltmp2, $4  }
0x4a: {  	[sflag:s7] =	ssyncadd.s32 $0xFFFFD400  }
0x4b: {  	[hbm4b:s3+s1] =	stream.linear.scatter [tilespmem:s6], [sflag:$0x2], $0xC800, $0x38;
	[tilespmem:$0xE980] =	vst v63  }
0x4c: {  	_ =	swait.ge [sflag:s4], $0xC800  }
0x4d: {  	[sflag:s4] =	ssyncset.done $0x0  }
.LBB2_3:
0x4e: {  	s17 =	simm.s32 @!p0 $0x1C02;
	s18 =	simm.s32 @!p0 $0x2;
	[sflag:s4] =	ssyncadd.s32 @p1 $0xFFFF3800  }
0x4f: {  	[spmem:s16], [sflag:s17] =	dma.local @!p0 [hbm:s5], $0x3F00  }
0x50: {  	_ =	swait.ge @!p0 [sflag:s18], $0x3F00  }
0x51: {  	[sflag:s18] =	ssyncset.done @!p0 $0x0  }
0x52: {  	[sflag:s18] =	ssyncadd.s32 @!p0 $0xFFFFC100  }
0x53: {  	[tilespmem:s1], [sflag:$0x2] =	stream.linear.gather [hbm4b:s9+s1], $0x190, $0x38;
	[tilespmem:$0xE980] =	vst v63  }
0x54: {  	_ =	swait.ge [sflag:s4], $0x190  }
0x55: {  	[sflag:s4] =	ssyncset.done $0x0  }
0x56: {  	[sflag:s4] =	ssyncadd.s32 $0xFFFFFE70  }
0x57: {  	[bflag:$0x0] =	sbarrier.arrive $0xFFFF  }
0x58: {  	[tilespmem:s6], [sflag:$0x1] =	stream.indirect.gather [spmem:s2], $0x80, s1, s8, $0xb8;
	[tilespmem:$0xE980] =	vst v63  }
0x59: {  	_ = 	snop  }
0x5a: {  	[tilespmem:s10], [sflag:$0x1] =	stream.indirect.gather [spmem:s2], $0x80, s8, s8, $0xb8;
	[tilespmem:$0xE980] =	vst v63  }
0x5b: {  	_ = 	snop  }
0x5c: {  	[tilespmem:s12], [sflag:$0x1] =	stream.indirect.gather [spmem:s2], $0x80, s11, s8, $0xb8;
	[tilespmem:$0xE980] =	vst v63  }
0x5d: {  	_ = 	snop  }
0x5e: {  	[tilespmem:s15], [sflag:$0x1] =	stream.indirect.gather [spmem:s2], $0x80, s14, s13, $0xb8;
	[tilespmem:$0xE980] =	vst v63  }
0x5f: {  	_ =	swait.ge [sflag:s7], $0x3400  }
0x60: {  	[sflag:s7] =	ssyncset.done $0x0  }
0x61: {  	[sflag:s7] =	ssyncadd.s32 $0xFFFFCC00  }
0x62: {  	_ =	swait.ge [sflag:s7], $0x3400  }
0x63: {  	[sflag:s7] =	ssyncset.done $0x0  }
0x64: {  	[sflag:s7] =	ssyncadd.s32 $0xFFFFCC00  }
0x65: {  	_ =	swait.ge [sflag:s7], $0x3400  }
0x66: {  	[sflag:s7] =	ssyncset.done $0x0  }
0x67: {  	[sflag:s7] =	ssyncadd.s32 $0xFFFFCC00  }
0x68: {  	_ =	swait.ge [sflag:s7], $0x2C00  }
0x69: {  	[sflag:s7] =	ssyncset.done $0x0  }
0x6a: {  	[sflag:s7] =	ssyncadd.s32 $0xFFFFD400  }
0x6b: {  	[hbm4b:s3+s1] =	stream.linear.scatter [tilespmem:s6], [sflag:$0x2], $0xC800, $0x38;
	[tilespmem:$0xE980] =	vst v63  }
0x6c: {  	_ =	swait.ge [sflag:s4], $0xC800  }
0x6d: {  	[sflag:s4] =	ssyncset.done $0x0  }
0x6e: {  	[sflag:s4] =	ssyncadd.s32 $0xFFFF3800  }
0x6f: {  	_ =	sfence.sel $0x180000  }
0x70: {  	[bflag:$0x0] =	sbarrier.arrive $0xFFFF  }
0x71: {  	_ =	strace $0x90000047  }
0x72: {  	s0 =	sadd.s32 @!p0 $0x100000, s0;
	[bflag:$0x2] =	sbarrier.arrive $0xFFFF  }
0x73: {  	[sflag:s0] =	ssyncadd.tile.s32 @!p0 $0x1;
	_ =	shalt  }
.Lfunc_end2:
_tile_overlayer_lowered:
.L_overlay_start_2:
0x74: {  	(tag) =	ssettag $0x2  }
0x75: {  	s0 =	rddreg [dreg:$0x0];
	s2 =	stileid.u32  }
0x76: {  	s1 =	rddreg [dreg:$0x1];
	p0 =	sne.s32 s2, $0x0  }
0x77: {  	s3 =	rddreg [dreg:$0x2];
	[bflag:$0x3] =	sbarrier.arrive $0xFFFF;
	s2 =	simm.s32 @!p0 $0x1C02  }
0x78: {  	[timem:s3], [sflag:s2] =	dma.local @!p0 [hbm:s0], s1  }
0x79: {  	s0 =	simm.s32 @!p0 $0x2  }
0x7a: {  	_ =	swait.ge @!p0 [sflag:s0], s1  }
0x7b: {  	s1 =	ssub.s32 @!p0 $0x0, s1;
	[sflag:s0] =	ssyncset.done @!p0 $0x0  }
0x7c: {  	[sflag:s0] =	ssyncadd.s32 @!p0 s1  }
0x7d: {  	[bflag:$0x3] =	sbarrier.arrive $0xFFFF  }
0x7e: {  	_ =	shalt  }

</sc_bundles>
